<compile_context>
chip_gen: v7x
topology: tpu7x:2x2x1
jax: 0.10.2.dev20260603
libtpu: 0.0.44.dev20260713+nightly
codegen_flags: <defaults>
</compile_context>

<pallas_src>
import functools

import jax
import jax.numpy as jnp
from jax import lax
from jax.experimental import pallas as pl
from jax.experimental.pallas import tpu as pltpu
from jax.experimental.pallas import tpu_sc as plsc

_LANES = 16


def _make_sc_index(B, N, T, W):
    mesh = plsc.VectorSubcoreMesh(core_axis_name="c", subcore_axis_name="s")
    num_workers = mesh.num_cores * mesh.num_subcores
    per_worker = B // num_workers

    @functools.partial(
        pl.kernel,
        out_type=jax.ShapeDtypeStruct((B // 8, 8, N), jnp.int32),
        mesh=mesh,
        scratch_types=[
            pltpu.VMEM((2, N), jnp.float32),
            pltpu.VMEM((N,), jnp.int32),
        ],
    )
    def sc_index(dw_hbm, out_hbm, dwv, cv):
        wid = lax.axis_index("s") * mesh.num_cores + lax.axis_index("c")
        for t in range(per_worker):
            b = wid * per_worker + t
            pltpu.sync_copy(dw_hbm.at[b], dwv)

            def chunk(i, carry):
                sl = pl.ds(i * _LANES, _LANES)
                d = jnp.clip(dwv[0, sl] * float(T), 0.0, float(T - 1)).astype(jnp.int32)
                w = jnp.clip(dwv[1, sl], 0.0, float(W - 1)).astype(jnp.int32)
                cv[sl] = d * 8 + w
                return carry

            lax.fori_loop(0, N // _LANES, chunk, 0)
            pltpu.sync_copy(cv, out_hbm.at[b >> 3, b & 7])

    return sc_index


def _tc_body(c_ref, td_ref, tw_ref, out_ref):
    T = td_ref.shape[0]
    W = tw_ref.shape[0]
    BB = c_ref.shape[1]
    N = c_ref.shape[2]

    iota_t = jax.lax.broadcasted_iota(jnp.int32, (T, N), 0)
    iota_w = jax.lax.broadcasted_iota(jnp.int32, (W, N), 0)
    for i in range(BB):
        c = c_ref[0, i:i + 1, :]
        d_idx = c >> 3
        w_idx = c & 7
        oh_d = (iota_t == d_idx).astype(jnp.float32)
        oh_w = (iota_w == w_idx).astype(jnp.float32)
        acc = jax.lax.dot_general(td_ref[...], oh_d, (((0,), (0,)), ((), ())),
                                  preferred_element_type=jnp.float32)
        acc = acc + jax.lax.dot_general(tw_ref[...], oh_w, (((0,), (0,)), ((), ())),
                                        preferred_element_type=jnp.float32)
        out_ref[i, :, :] = acc


def kernel(x, time_day, time_week):
    B, S, N, C = x.shape
    T, F = time_day.shape
    W = time_week.shape[0]

    dw = jnp.transpose(x[:, -1, :, 1:3], (0, 2, 1))
    cidx = _make_sc_index(B, N, T, W)(dw)

    BB = 8
    out = pl.pallas_call(
        _tc_body,
        grid=(B // BB,),
        in_specs=[
            pl.BlockSpec((1, BB, N), lambda b: (b, 0, 0)),
            pl.BlockSpec((T, F), lambda b: (0, 0)),
            pl.BlockSpec((W, F), lambda b: (0, 0)),
        ],
        out_specs=pl.BlockSpec((BB, F, N), lambda b: (b, 0, 0)),
        out_shape=jax.ShapeDtypeStruct((B, F, N), jnp.float32),
    )(cidx, time_day, time_week)
    return out[..., None]

# --- scband reference (transcript-rebuilt; emitter-appended) ---
"""Pipeline reference for scband-spatio-temporal-embedding-25451976196745 (READ-ONLY COPY).

The authoritative reference and input builder live on the scoring server;
editing this copy changes nothing except your own understanding.
"""

import jax, jax.numpy as jnp
import numpy as np

TIME = 288
FEATURES = 128
B, S, N = 64, 12, 2048


def setup_inputs(seed: int = 0) -> dict:
    key = jax.random.key(seed)
    k1, k2, k3 = jax.random.split(key, 3)
    # x[..., 0] = flow value, x[..., 1] = fractional hour-of-day in [0,1), x[..., 2] = day-of-week in [0,7)
    x = jax.random.uniform(k1, (B, S, N, 3), dtype=jnp.float32)
    x = x.at[..., 2].multiply(7.0)
    bound_d = float(np.sqrt(6.0 / (TIME + FEATURES)))
    time_day = jax.random.uniform(k2, (TIME, FEATURES), minval=-bound_d, maxval=bound_d, dtype=jnp.float32)
    bound_w = float(np.sqrt(6.0 / (7 + FEATURES)))
    time_week = jax.random.uniform(k3, (7, FEATURES), minval=-bound_w, maxval=bound_w, dtype=jnp.float32)
    return {"x": x, "time_day": time_day, "time_week": time_week}


def reference(x, time_day, time_week):
    time = time_day.shape[0]
    day_emb = x[..., 1]
    day_index = jnp.clip(day_emb[:, -1, :] * time, 0, time - 1).astype(jnp.int32)  # [B, N]
    td = jnp.take(time_day, day_index, axis=0)          # [B, N, F]
    td = jnp.transpose(td, (0, 2, 1))[..., None]         # [B, F, N, 1]
    week_emb = x[..., 2]
    week_index = jnp.clip(week_emb[:, -1, :], 0, 6).astype(jnp.int32)  # [B, N]
    tw = jnp.take(time_week, week_index, axis=0)         # [B, N, F]
    tw = jnp.transpose(tw, (0, 2, 1))[..., None]         # [B, F, N, 1]
    return td + tw

if __name__ == "__main__":
    import jax
    _d = setup_inputs()
    print(jax.jit(kernel)(*tuple(_d.values())))

</pallas_src>

<mosaic_0001>
#map = affine_map<(d0, d1) -> (0, 0, 0)>
module attributes {stable_mosaic.version = 14 : i64} {
  func.func @sc_index(%arg0: i32, %arg1: i32, %arg2: memref<64x2x2048xf32, #tpu.memory_space<hbm>>, %arg3: memref<8x8x2048xi32, #tpu.memory_space<hbm>>, %arg4: memref<2x2048xf32, #tpu.memory_space<vmem>>, %arg5: memref<2048xi32, #tpu.memory_space<vmem>>) attributes {dimension_semantics = [#tpu.dimension_semantics<core_parallel>, #tpu.dimension_semantics<subcore_parallel>], iteration_bounds = array<i64: 2, 16>, scalar_prefetch = 0 : i64, scratch_operands = 2 : i64, tpu.core_type = #tpu.core_type<sc_vector_subcore>, window_params = [{transform_indices = #map}, {transform_indices = #map}]} {
    %mul3A = arith.constant 2 : i32
    %mul3A_0 = arith.muli %arg1, %mul3A : i32
    %add3A = arith.addi %mul3A_0, %arg0 : i32
    %mul3A_1 = arith.constant 2 : i32
    %mul3A_2 = arith.muli %add3A, %mul3A_1 : i32
    %add3A_3 = arith.constant 0 : i32
    %add3A_4 = arith.addi %mul3A_2, %add3A_3 : i32
    "tpu.region"() ({
      %run_scoped3A = tpu.sem_alloc : memref<!tpu.dma_semaphore, #tpu.memory_space<semaphore_mem>>
      %dma_start3A = arith.constant 0 : i32
      %dma_start3A_26 = arith.constant 0 : i32
      %dma_start3A_27 = tpu.memref_slice %arg2[%add3A_4, %dma_start3A, %dma_start3A_26] : memref<64x2x2048xf32, #tpu.memory_space<hbm>> -> memref<1x2x2048xf32, #tpu.memory_space<hbm>>
      %dma_start3A_28 = tpu.memref_squeeze %dma_start3A_27 : memref<1x2x2048xf32, #tpu.memory_space<hbm>> -> memref<2x2048xf32, #tpu.memory_space<hbm>>
      %dma_start3A_29 = arith.constant 0 : i32
      %dma_start3A_30 = arith.constant 0 : i32
      %dma_start3A_31 = tpu.memref_slice %arg2[%add3A_4, %dma_start3A_29, %dma_start3A_30] : memref<64x2x2048xf32, #tpu.memory_space<hbm>> -> memref<1x2x2048xf32, #tpu.memory_space<hbm>>
      %dma_start3A_32 = tpu.memref_squeeze %dma_start3A_31 : memref<1x2x2048xf32, #tpu.memory_space<hbm>> -> memref<2x2048xf32, #tpu.memory_space<hbm>>
      tpu.enqueue_dma source(%dma_start3A_32 : memref<2x2048xf32, #tpu.memory_space<hbm>>) target(%arg4 : memref<2x2048xf32, #tpu.memory_space<vmem>>) target_semaphore(%run_scoped3A : memref<!tpu.dma_semaphore, #tpu.memory_space<semaphore_mem>>)
      %dma_wait3A = arith.constant 0 : i32
      %dma_wait3A_33 = arith.constant 0 : i32
      %dma_wait3A_34 = tpu.memref_slice %arg2[%add3A_4, %dma_wait3A, %dma_wait3A_33] : memref<64x2x2048xf32, #tpu.memory_space<hbm>> -> memref<1x2x2048xf32, #tpu.memory_space<hbm>>
      %dma_wait3A_35 = tpu.memref_squeeze %dma_wait3A_34 : memref<1x2x2048xf32, #tpu.memory_space<hbm>> -> memref<2x2048xf32, #tpu.memory_space<hbm>>
      %dma_wait3A_36 = arith.constant 0 : i32
      %dma_wait3A_37 = arith.constant 0 : i32
      %dma_wait3A_38 = tpu.memref_slice %arg2[%add3A_4, %dma_wait3A_36, %dma_wait3A_37] : memref<64x2x2048xf32, #tpu.memory_space<hbm>> -> memref<1x2x2048xf32, #tpu.memory_space<hbm>>
      %dma_wait3A_39 = tpu.memref_squeeze %dma_wait3A_38 : memref<1x2x2048xf32, #tpu.memory_space<hbm>> -> memref<2x2048xf32, #tpu.memory_space<hbm>>
      tpu.wait_dma2 semaphore(%run_scoped3A : memref<!tpu.dma_semaphore, #tpu.memory_space<semaphore_mem>>) src(%dma_wait3A_39 : memref<2x2048xf32, #tpu.memory_space<hbm>>) dst(%arg4 : memref<2x2048xf32, #tpu.memory_space<vmem>>)
      tpu.yield
    }) : () -> ()
    %scan3A = arith.constant 0 : i32
    %scan3A_5 = arith.constant 0 : i32
    %scan3A_6 = arith.constant 128 : i32
    %scan3A_7 = arith.addi %scan3A_5, %scan3A_6 : i32
    %scan3A_8 = arith.constant 1 : i32
    scf.for %scan3A_26 = %scan3A_5 to %scan3A_7 step %scan3A_8  : i32 {
      %mul3A_27 = arith.constant 16 : i32
      %mul3A_28 = arith.muli %scan3A_26, %mul3A_27 : i32
      %get3A = arith.constant 0 : i32
      %get3A_29 = arith.index_cast %get3A : i32 to index
      %get3A_30 = arith.index_cast %mul3A_28 : i32 to index
      %get3A_31 = tpu.vector_load %arg4[%get3A_29, %get3A_30] {strides = array<i32>} : memref<2x2048xf32, #tpu.memory_space<vmem>>, vector<1x16xf32>,
      %get3A_32 = vector.shape_cast %get3A_31 : vector<1x16xf32> to vector<16xf32>
      %mul3A_33 = arith.constant 2.880000e+02 : f32
      %mul3A_34 = vector.broadcast %mul3A_33 : f32 to vector<16xf32>
      %mul3A_35 = arith.mulf %get3A_32, %mul3A_34 : vector<16xf32>
      %jit3A = arith.constant 0.000000e+00 : f32
      %jit3A_36 = arith.constant 2.870000e+02 : f32
      %max3A = vector.broadcast %jit3A : f32 to vector<16xf32>
      %max3A_37 = arith.maximumf %max3A, %mul3A_35 : vector<16xf32>
      %min3A = vector.broadcast %jit3A_36 : f32 to vector<16xf32>
      %min3A_38 = arith.minimumf %min3A, %max3A_37 : vector<16xf32>
      %convert_element_type3A = arith.fptosi %min3A_38 : vector<16xf32> to vector<16xi32>
      %get3A_39 = arith.constant 1 : i32
      %get3A_40 = arith.index_cast %get3A_39 : i32 to index
      %get3A_41 = arith.index_cast %mul3A_28 : i32 to index
      %get3A_42 = tpu.vector_load %arg4[%get3A_40, %get3A_41] {strides = array<i32>} : memref<2x2048xf32, #tpu.memory_space<vmem>>, vector<1x16xf32>,
      %get3A_43 = vector.shape_cast %get3A_42 : vector<1x16xf32> to vector<16xf32>
      %jit3A_44 = arith.constant 0.000000e+00 : f32
      %jit3A_45 = arith.constant 6.000000e+00 : f32
      %max3A_46 = vector.broadcast %jit3A_44 : f32 to vector<16xf32>
      %max3A_47 = arith.maximumf %max3A_46, %get3A_43 : vector<16xf32>
      %min3A_48 = vector.broadcast %jit3A_45 : f32 to vector<16xf32>
      %min3A_49 = arith.minimumf %min3A_48, %max3A_47 : vector<16xf32>
      %convert_element_type3A_50 = arith.fptosi %min3A_49 : vector<16xf32> to vector<16xi32>
      %mul3A_51 = arith.constant 8 : i32
      %mul3A_52 = vector.broadcast %mul3A_51 : i32 to vector<16xi32>
      %mul3A_53 = arith.muli %convert_element_type3A, %mul3A_52 : vector<16xi32>
      %add3A_54 = arith.addi %mul3A_53, %convert_element_type3A_50 : vector<16xi32>
      %swap3A = arith.index_cast %mul3A_28 : i32 to index
      %swap3A_55 = tpu.vector_load %arg5[%swap3A] {strides = array<i32>} : memref<2048xi32, #tpu.memory_space<vmem>>, vector<16xi32>,
      %swap3A_56 = vector.shape_cast %swap3A_55 : vector<16xi32> to vector<16xi32>
      %swap3A_57 = vector.shape_cast %add3A_54 : vector<16xi32> to vector<16xi32>
      tpu.vector_store %arg5[%swap3A], %swap3A_57 {strides = array<i32>} : memref<2048xi32, #tpu.memory_space<vmem>>, vector<16xi32>,
    }
    %scan3A_9 = arith.constant 128 : i32
    %shift_right_arithmetic3A = arith.constant 3 : i32
    %shift_right_arithmetic3A_10 = arith.shrsi %add3A_4, %shift_right_arithmetic3A : i32
    %and3A = arith.constant 7 : i32
    %and3A_11 = arith.andi %add3A_4, %and3A : i32
    "tpu.region"() ({
      %run_scoped3A = tpu.sem_alloc : memref<!tpu.dma_semaphore, #tpu.memory_space<semaphore_mem>>
      %dma_start3A = arith.constant 0 : i32
      %dma_start3A_26 = tpu.memref_slice %arg3[%shift_right_arithmetic3A_10, %and3A_11, %dma_start3A] : memref<8x8x2048xi32, #tpu.memory_space<hbm>> -> memref<1x1x2048xi32, #tpu.memory_space<hbm>>
      %dma_start3A_27 = tpu.memref_squeeze %dma_start3A_26 : memref<1x1x2048xi32, #tpu.memory_space<hbm>> -> memref<2048xi32, #tpu.memory_space<hbm>>
      %dma_start3A_28 = arith.constant 0 : i32
      %dma_start3A_29 = tpu.memref_slice %arg3[%shift_right_arithmetic3A_10, %and3A_11, %dma_start3A_28] : memref<8x8x2048xi32, #tpu.memory_space<hbm>> -> memref<1x1x2048xi32, #tpu.memory_space<hbm>>
      %dma_start3A_30 = tpu.memref_squeeze %dma_start3A_29 : memref<1x1x2048xi32, #tpu.memory_space<hbm>> -> memref<2048xi32, #tpu.memory_space<hbm>>
      tpu.enqueue_dma source(%arg5 : memref<2048xi32, #tpu.memory_space<vmem>>) target(%dma_start3A_30 : memref<2048xi32, #tpu.memory_space<hbm>>) target_semaphore(%run_scoped3A : memref<!tpu.dma_semaphore, #tpu.memory_space<semaphore_mem>>)
      %dma_wait3A = arith.constant 0 : i32
      %dma_wait3A_31 = tpu.memref_slice %arg3[%shift_right_arithmetic3A_10, %and3A_11, %dma_wait3A] : memref<8x8x2048xi32, #tpu.memory_space<hbm>> -> memref<1x1x2048xi32, #tpu.memory_space<hbm>>
      %dma_wait3A_32 = tpu.memref_squeeze %dma_wait3A_31 : memref<1x1x2048xi32, #tpu.memory_space<hbm>> -> memref<2048xi32, #tpu.memory_space<hbm>>
      %dma_wait3A_33 = arith.constant 0 : i32
      %dma_wait3A_34 = tpu.memref_slice %arg3[%shift_right_arithmetic3A_10, %and3A_11, %dma_wait3A_33] : memref<8x8x2048xi32, #tpu.memory_space<hbm>> -> memref<1x1x2048xi32, #tpu.memory_space<hbm>>
      %dma_wait3A_35 = tpu.memref_squeeze %dma_wait3A_34 : memref<1x1x2048xi32, #tpu.memory_space<hbm>> -> memref<2048xi32, #tpu.memory_space<hbm>>
      tpu.wait_dma2 semaphore(%run_scoped3A : memref<!tpu.dma_semaphore, #tpu.memory_space<semaphore_mem>>) src(%arg5 : memref<2048xi32, #tpu.memory_space<vmem>>) dst(%dma_wait3A_35 : memref<2048xi32, #tpu.memory_space<hbm>>)
      tpu.yield
    }) : () -> ()
    %mul3A_12 = arith.constant 2 : i32
    %mul3A_13 = arith.muli %add3A, %mul3A_12 : i32
    %add3A_14 = arith.constant 1 : i32
    %add3A_15 = arith.addi %mul3A_13, %add3A_14 : i32
    "tpu.region"() ({
      %run_scoped3A = tpu.sem_alloc : memref<!tpu.dma_semaphore, #tpu.memory_space<semaphore_mem>>
      %dma_start3A = arith.constant 0 : i32
      %dma_start3A_26 = arith.constant 0 : i32
      %dma_start3A_27 = tpu.memref_slice %arg2[%add3A_15, %dma_start3A, %dma_start3A_26] : memref<64x2x2048xf32, #tpu.memory_space<hbm>> -> memref<1x2x2048xf32, #tpu.memory_space<hbm>>
      %dma_start3A_28 = tpu.memref_squeeze %dma_start3A_27 : memref<1x2x2048xf32, #tpu.memory_space<hbm>> -> memref<2x2048xf32, #tpu.memory_space<hbm>>
      %dma_start3A_29 = arith.constant 0 : i32
      %dma_start3A_30 = arith.constant 0 : i32
      %dma_start3A_31 = tpu.memref_slice %arg2[%add3A_15, %dma_start3A_29, %dma_start3A_30] : memref<64x2x2048xf32, #tpu.memory_space<hbm>> -> memref<1x2x2048xf32, #tpu.memory_space<hbm>>
      %dma_start3A_32 = tpu.memref_squeeze %dma_start3A_31 : memref<1x2x2048xf32, #tpu.memory_space<hbm>> -> memref<2x2048xf32, #tpu.memory_space<hbm>>
      tpu.enqueue_dma source(%dma_start3A_32 : memref<2x2048xf32, #tpu.memory_space<hbm>>) target(%arg4 : memref<2x2048xf32, #tpu.memory_space<vmem>>) target_semaphore(%run_scoped3A : memref<!tpu.dma_semaphore, #tpu.memory_space<semaphore_mem>>)
      %dma_wait3A = arith.constant 0 : i32
      %dma_wait3A_33 = arith.constant 0 : i32
      %dma_wait3A_34 = tpu.memref_slice %arg2[%add3A_15, %dma_wait3A, %dma_wait3A_33] : memref<64x2x2048xf32, #tpu.memory_space<hbm>> -> memref<1x2x2048xf32, #tpu.memory_space<hbm>>
      %dma_wait3A_35 = tpu.memref_squeeze %dma_wait3A_34 : memref<1x2x2048xf32, #tpu.memory_space<hbm>> -> memref<2x2048xf32, #tpu.memory_space<hbm>>
      %dma_wait3A_36 = arith.constant 0 : i32
      %dma_wait3A_37 = arith.constant 0 : i32
      %dma_wait3A_38 = tpu.memref_slice %arg2[%add3A_15, %dma_wait3A_36, %dma_wait3A_37] : memref<64x2x2048xf32, #tpu.memory_space<hbm>> -> memref<1x2x2048xf32, #tpu.memory_space<hbm>>
      %dma_wait3A_39 = tpu.memref_squeeze %dma_wait3A_38 : memref<1x2x2048xf32, #tpu.memory_space<hbm>> -> memref<2x2048xf32, #tpu.memory_space<hbm>>
      tpu.wait_dma2 semaphore(%run_scoped3A : memref<!tpu.dma_semaphore, #tpu.memory_space<semaphore_mem>>) src(%dma_wait3A_39 : memref<2x2048xf32, #tpu.memory_space<hbm>>) dst(%arg4 : memref<2x2048xf32, #tpu.memory_space<vmem>>)
      tpu.yield
    }) : () -> ()
    %scan3A_16 = arith.constant 0 : i32
    %scan3A_17 = arith.constant 0 : i32
    %scan3A_18 = arith.constant 128 : i32
    %scan3A_19 = arith.addi %scan3A_17, %scan3A_18 : i32
    %scan3A_20 = arith.constant 1 : i32
    scf.for %scan3A_26 = %scan3A_17 to %scan3A_19 step %scan3A_20  : i32 {
      %mul3A_27 = arith.constant 16 : i32
      %mul3A_28 = arith.muli %scan3A_26, %mul3A_27 : i32
      %get3A = arith.constant 0 : i32
      %get3A_29 = arith.index_cast %get3A : i32 to index
      %get3A_30 = arith.index_cast %mul3A_28 : i32 to index
      %get3A_31 = tpu.vector_load %arg4[%get3A_29, %get3A_30] {strides = array<i32>} : memref<2x2048xf32, #tpu.memory_space<vmem>>, vector<1x16xf32>,
      %get3A_32 = vector.shape_cast %get3A_31 : vector<1x16xf32> to vector<16xf32>
      %mul3A_33 = arith.constant 2.880000e+02 : f32
      %mul3A_34 = vector.broadcast %mul3A_33 : f32 to vector<16xf32>
      %mul3A_35 = arith.mulf %get3A_32, %mul3A_34 : vector<16xf32>
      %jit3A = arith.constant 0.000000e+00 : f32
      %jit3A_36 = arith.constant 2.870000e+02 : f32
      %max3A = vector.broadcast %jit3A : f32 to vector<16xf32>
      %max3A_37 = arith.maximumf %max3A, %mul3A_35 : vector<16xf32>
      %min3A = vector.broadcast %jit3A_36 : f32 to vector<16xf32>
      %min3A_38 = arith.minimumf %min3A, %max3A_37 : vector<16xf32>
      %convert_element_type3A = arith.fptosi %min3A_38 : vector<16xf32> to vector<16xi32>
      %get3A_39 = arith.constant 1 : i32
      %get3A_40 = arith.index_cast %get3A_39 : i32 to index
      %get3A_41 = arith.index_cast %mul3A_28 : i32 to index
      %get3A_42 = tpu.vector_load %arg4[%get3A_40, %get3A_41] {strides = array<i32>} : memref<2x2048xf32, #tpu.memory_space<vmem>>, vector<1x16xf32>,
      %get3A_43 = vector.shape_cast %get3A_42 : vector<1x16xf32> to vector<16xf32>
      %jit3A_44 = arith.constant 0.000000e+00 : f32
      %jit3A_45 = arith.constant 6.000000e+00 : f32
      %max3A_46 = vector.broadcast %jit3A_44 : f32 to vector<16xf32>
      %max3A_47 = arith.maximumf %max3A_46, %get3A_43 : vector<16xf32>
      %min3A_48 = vector.broadcast %jit3A_45 : f32 to vector<16xf32>
      %min3A_49 = arith.minimumf %min3A_48, %max3A_47 : vector<16xf32>
      %convert_element_type3A_50 = arith.fptosi %min3A_49 : vector<16xf32> to vector<16xi32>
      %mul3A_51 = arith.constant 8 : i32
      %mul3A_52 = vector.broadcast %mul3A_51 : i32 to vector<16xi32>
      %mul3A_53 = arith.muli %convert_element_type3A, %mul3A_52 : vector<16xi32>
      %add3A_54 = arith.addi %mul3A_53, %convert_element_type3A_50 : vector<16xi32>
      %swap3A = arith.index_cast %mul3A_28 : i32 to index
      %swap3A_55 = tpu.vector_load %arg5[%swap3A] {strides = array<i32>} : memref<2048xi32, #tpu.memory_space<vmem>>, vector<16xi32>,
      %swap3A_56 = vector.shape_cast %swap3A_55 : vector<16xi32> to vector<16xi32>
      %swap3A_57 = vector.shape_cast %add3A_54 : vector<16xi32> to vector<16xi32>
      tpu.vector_store %arg5[%swap3A], %swap3A_57 {strides = array<i32>} : memref<2048xi32, #tpu.memory_space<vmem>>, vector<16xi32>,
    }
    %scan3A_21 = arith.constant 128 : i32
    %shift_right_arithmetic3A_22 = arith.constant 3 : i32
    %shift_right_arithmetic3A_23 = arith.shrsi %add3A_15, %shift_right_arithmetic3A_22 : i32
    %and3A_24 = arith.constant 7 : i32
    %and3A_25 = arith.andi %add3A_15, %and3A_24 : i32
    "tpu.region"() ({
      %run_scoped3A = tpu.sem_alloc : memref<!tpu.dma_semaphore, #tpu.memory_space<semaphore_mem>>
      %dma_start3A = arith.constant 0 : i32
      %dma_start3A_26 = tpu.memref_slice %arg3[%shift_right_arithmetic3A_23, %and3A_25, %dma_start3A] : memref<8x8x2048xi32, #tpu.memory_space<hbm>> -> memref<1x1x2048xi32, #tpu.memory_space<hbm>>
      %dma_start3A_27 = tpu.memref_squeeze %dma_start3A_26 : memref<1x1x2048xi32, #tpu.memory_space<hbm>> -> memref<2048xi32, #tpu.memory_space<hbm>>
      %dma_start3A_28 = arith.constant 0 : i32
      %dma_start3A_29 = tpu.memref_slice %arg3[%shift_right_arithmetic3A_23, %and3A_25, %dma_start3A_28] : memref<8x8x2048xi32, #tpu.memory_space<hbm>> -> memref<1x1x2048xi32, #tpu.memory_space<hbm>>
      %dma_start3A_30 = tpu.memref_squeeze %dma_start3A_29 : memref<1x1x2048xi32, #tpu.memory_space<hbm>> -> memref<2048xi32, #tpu.memory_space<hbm>>
      tpu.enqueue_dma source(%arg5 : memref<2048xi32, #tpu.memory_space<vmem>>) target(%dma_start3A_30 : memref<2048xi32, #tpu.memory_space<hbm>>) target_semaphore(%run_scoped3A : memref<!tpu.dma_semaphore, #tpu.memory_space<semaphore_mem>>)
      %dma_wait3A = arith.constant 0 : i32
      %dma_wait3A_31 = tpu.memref_slice %arg3[%shift_right_arithmetic3A_23, %and3A_25, %dma_wait3A] : memref<8x8x2048xi32, #tpu.memory_space<hbm>> -> memref<1x1x2048xi32, #tpu.memory_space<hbm>>
      %dma_wait3A_32 = tpu.memref_squeeze %dma_wait3A_31 : memref<1x1x2048xi32, #tpu.memory_space<hbm>> -> memref<2048xi32, #tpu.memory_space<hbm>>
      %dma_wait3A_33 = arith.constant 0 : i32
      %dma_wait3A_34 = tpu.memref_slice %arg3[%shift_right_arithmetic3A_23, %and3A_25, %dma_wait3A_33] : memref<8x8x2048xi32, #tpu.memory_space<hbm>> -> memref<1x1x2048xi32, #tpu.memory_space<hbm>>
      %dma_wait3A_35 = tpu.memref_squeeze %dma_wait3A_34 : memref<1x1x2048xi32, #tpu.memory_space<hbm>> -> memref<2048xi32, #tpu.memory_space<hbm>>
      tpu.wait_dma2 semaphore(%run_scoped3A : memref<!tpu.dma_semaphore, #tpu.memory_space<semaphore_mem>>) src(%arg5 : memref<2048xi32, #tpu.memory_space<vmem>>) dst(%dma_wait3A_35 : memref<2048xi32, #tpu.memory_space<hbm>>)
      tpu.yield
    }) : () -> ()
    return
  }
}

module attributes {stable_mosaic.version = 14 : i64} {
  func.func @_tc_body(%arg0: i32, %arg1: memref<1x8x2048xi32, #tpu.memory_space<vmem>>, %arg2: memref<288x128xf32, #tpu.memory_space<vmem>>, %arg3: memref<7x128xf32, #tpu.memory_space<vmem>>, %arg4: memref<8x128x2048xf32, #tpu.memory_space<vmem>>) attributes {dimension_semantics = [#tpu.dimension_semantics<arbitrary>], iteration_bounds = array<i64: 8>, scalar_prefetch = 0 : i64, scratch_operands = 0 : i64, tpu.core_type = #tpu.core_type<tc>, window_params = [{transform_indices = @transform_0, window_bounds = array<i64: 1, 8, 2048>}, {pipeline_mode = #tpu.pipeline_mode<synchronous>, transform_indices = @transform_1, window_bounds = array<i64: 288, 128>}, {pipeline_mode = #tpu.pipeline_mode<synchronous>, transform_indices = @transform_2, window_bounds = array<i64: 7, 128>}, {transform_indices = @transform_3, window_bounds = array<i64: 8, 128, 2048>}]} {
    %iota3A = tpu.iota {dimensions = array<i32: 0>} : vector<288x2048xi32>
    %iota3A_0 = tpu.iota {dimensions = array<i32: 0>} : vector<7x2048xi32>
    %get3A = arith.constant 0 : index
    %get3A_1 = arith.constant 0 : index
    %get3A_2 = arith.constant 0 : index
    %get3A_3 = vector.load %arg1[%get3A, %get3A_1, %get3A_2] : memref<1x8x2048xi32, #tpu.memory_space<vmem>>, vector<1x1x2048xi32>
    %get3A_4 = vector.shape_cast %get3A_3 : vector<1x1x2048xi32> to vector<1x2048xi32>
    %shift_right_arithmetic3A = arith.constant 3 : i32
    %shift_right_arithmetic3A_5 = vector.broadcast %shift_right_arithmetic3A : i32 to vector<1x2048xi32>
    %shift_right_arithmetic3A_6 = arith.shrsi %get3A_4, %shift_right_arithmetic3A_5 : vector<1x2048xi32>
    %and3A = arith.constant 7 : i32
    %and3A_7 = vector.broadcast %and3A : i32 to vector<1x2048xi32>
    %and3A_8 = arith.andi %get3A_4, %and3A_7 : vector<1x2048xi32>
    %eq3A = vector.broadcast %shift_right_arithmetic3A_6 : vector<1x2048xi32> to vector<288x2048xi32>
    %eq3A_9 = arith.cmpi eq, %iota3A, %eq3A : vector<288x2048xi32>
    %convert_element_type3A = arith.extui %eq3A_9 : vector<288x2048xi1> to vector<288x2048xi32>
    %convert_element_type3A_10 = arith.sitofp %convert_element_type3A : vector<288x2048xi32> to vector<288x2048xf32>
    %eq3A_11 = vector.broadcast %and3A_8 : vector<1x2048xi32> to vector<7x2048xi32>
    %eq3A_12 = arith.cmpi eq, %iota3A_0, %eq3A_11 : vector<7x2048xi32>
    %convert_element_type3A_13 = arith.extui %eq3A_12 : vector<7x2048xi1> to vector<7x2048xi32>
    %convert_element_type3A_14 = arith.sitofp %convert_element_type3A_13 : vector<7x2048xi32> to vector<7x2048xf32>
    %get3A_15 = arith.constant 0 : index
    %get3A_16 = arith.constant 0 : index
    %get3A_17 = vector.load %arg2[%get3A_15, %get3A_16] : memref<288x128xf32, #tpu.memory_space<vmem>>, vector<288x128xf32>
    %dot_general3A = arith.constant dense<0.000000e+00> : vector<128x2048xf32>
    %dot_general3A_18 = tpu.matmul %get3A_17, %convert_element_type3A_10, %dot_general3A {dimension_numbers = #tpu.dot_dimension_numbers<[0], [0], [1], [1], [0, 1, 1, 1], [], []>, transpose_lhs_hint = false} : vector<288x128xf32>, vector<288x2048xf32>, vector<128x2048xf32> -> vector<128x2048xf32>
    %get3A_19 = arith.constant 0 : index
    %get3A_20 = arith.constant 0 : index
    %get3A_21 = vector.load %arg3[%get3A_19, %get3A_20] : memref<7x128xf32, #tpu.memory_space<vmem>>, vector<7x128xf32>
    %dot_general3A_22 = arith.constant dense<0.000000e+00> : vector<128x2048xf32>
    %dot_general3A_23 = tpu.matmul %get3A_21, %convert_element_type3A_14, %dot_general3A_22 {dimension_numbers = #tpu.dot_dimension_numbers<[0], [0], [1], [1], [0, 1, 1, 1], [], []>, transpose_lhs_hint = false} : vector<7x128xf32>, vector<7x2048xf32>, vector<128x2048xf32> -> vector<128x2048xf32>
    %add3A = arith.addf %dot_general3A_18, %dot_general3A_23 : vector<128x2048xf32>
    %swap3A = arith.constant 0 : index
    %swap3A_24 = arith.constant 0 : index
    %swap3A_25 = arith.constant 0 : index
    %swap3A_26 = vector.load %arg4[%swap3A, %swap3A_24, %swap3A_25] : memref<8x128x2048xf32, #tpu.memory_space<vmem>>, vector<1x128x2048xf32>
    %swap3A_27 = vector.shape_cast %swap3A_26 : vector<1x128x2048xf32> to vector<128x2048xf32>
    %swap3A_28 = vector.shape_cast %add3A : vector<128x2048xf32> to vector<1x128x2048xf32>
    tpu.vector_store %arg4[%swap3A, %swap3A_24, %swap3A_25], %swap3A_28 {strides = array<i32>} : memref<8x128x2048xf32, #tpu.memory_space<vmem>>, vector<1x128x2048xf32>,
    %get3A_29 = arith.constant 0 : index
    %get3A_30 = arith.constant 1 : index
    %get3A_31 = arith.constant 0 : index
    %get3A_32 = vector.load %arg1[%get3A_29, %get3A_30, %get3A_31] : memref<1x8x2048xi32, #tpu.memory_space<vmem>>, vector<1x1x2048xi32>
    %get3A_33 = vector.shape_cast %get3A_32 : vector<1x1x2048xi32> to vector<1x2048xi32>
    %shift_right_arithmetic3A_34 = arith.constant 3 : i32
    %shift_right_arithmetic3A_35 = vector.broadcast %shift_right_arithmetic3A_34 : i32 to vector<1x2048xi32>
    %shift_right_arithmetic3A_36 = arith.shrsi %get3A_33, %shift_right_arithmetic3A_35 : vector<1x2048xi32>
    %and3A_37 = arith.constant 7 : i32
    %and3A_38 = vector.broadcast %and3A_37 : i32 to vector<1x2048xi32>
    %and3A_39 = arith.andi %get3A_33, %and3A_38 : vector<1x2048xi32>
    %eq3A_40 = vector.broadcast %shift_right_arithmetic3A_36 : vector<1x2048xi32> to vector<288x2048xi32>
    %eq3A_41 = arith.cmpi eq, %iota3A, %eq3A_40 : vector<288x2048xi32>
    %convert_element_type3A_42 = arith.extui %eq3A_41 : vector<288x2048xi1> to vector<288x2048xi32>
    %convert_element_type3A_43 = arith.sitofp %convert_element_type3A_42 : vector<288x2048xi32> to vector<288x2048xf32>
    %eq3A_44 = vector.broadcast %and3A_39 : vector<1x2048xi32> to vector<7x2048xi32>
    %eq3A_45 = arith.cmpi eq, %iota3A_0, %eq3A_44 : vector<7x2048xi32>
    %convert_element_type3A_46 = arith.extui %eq3A_45 : vector<7x2048xi1> to vector<7x2048xi32>
    %convert_element_type3A_47 = arith.sitofp %convert_element_type3A_46 : vector<7x2048xi32> to vector<7x2048xf32>
    %get3A_48 = arith.constant 0 : index
    %get3A_49 = arith.constant 0 : index
    %get3A_50 = vector.load %arg2[%get3A_48, %get3A_49] : memref<288x128xf32, #tpu.memory_space<vmem>>, vector<288x128xf32>
    %dot_general3A_51 = arith.constant dense<0.000000e+00> : vector<128x2048xf32>
    %dot_general3A_52 = tpu.matmul %get3A_50, %convert_element_type3A_43, %dot_general3A_51 {dimension_numbers = #tpu.dot_dimension_numbers<[0], [0], [1], [1], [0, 1, 1, 1], [], []>, transpose_lhs_hint = false} : vector<288x128xf32>, vector<288x2048xf32>, vector<128x2048xf32> -> vector<128x2048xf32>
    %get3A_53 = arith.constant 0 : index
    %get3A_54 = arith.constant 0 : index
    %get3A_55 = vector.load %arg3[%get3A_53, %get3A_54] : memref<7x128xf32, #tpu.memory_space<vmem>>, vector<7x128xf32>
    %dot_general3A_56 = arith.constant dense<0.000000e+00> : vector<128x2048xf32>
    %dot_general3A_57 = tpu.matmul %get3A_55, %convert_element_type3A_47, %dot_general3A_56 {dimension_numbers = #tpu.dot_dimension_numbers<[0], [0], [1], [1], [0, 1, 1, 1], [], []>, transpose_lhs_hint = false} : vector<7x128xf32>, vector<7x2048xf32>, vector<128x2048xf32> -> vector<128x2048xf32>
    %add3A_58 = arith.addf %dot_general3A_52, %dot_general3A_57 : vector<128x2048xf32>
    %swap3A_59 = arith.constant 1 : index
    %swap3A_60 = arith.constant 0 : index
    %swap3A_61 = arith.constant 0 : index
    %swap3A_62 = vector.load %arg4[%swap3A_59, %swap3A_60, %swap3A_61] : memref<8x128x2048xf32, #tpu.memory_space<vmem>>, vector<1x128x2048xf32>
    %swap3A_63 = vector.shape_cast %swap3A_62 : vector<1x128x2048xf32> to vector<128x2048xf32>
    %swap3A_64 = vector.shape_cast %add3A_58 : vector<128x2048xf32> to vector<1x128x2048xf32>
    tpu.vector_store %arg4[%swap3A_59, %swap3A_60, %swap3A_61], %swap3A_64 {strides = array<i32>} : memref<8x128x2048xf32, #tpu.memory_space<vmem>>, vector<1x128x2048xf32>,
    %get3A_65 = arith.constant 0 : index
    %get3A_66 = arith.constant 2 : index
    %get3A_67 = arith.constant 0 : index
    %get3A_68 = vector.load %arg1[%get3A_65, %get3A_66, %get3A_67] : memref<1x8x2048xi32, #tpu.memory_space<vmem>>, vector<1x1x2048xi32>
    %get3A_69 = vector.shape_cast %get3A_68 : vector<1x1x2048xi32> to vector<1x2048xi32>
    %shift_right_arithmetic3A_70 = arith.constant 3 : i32
    %shift_right_arithmetic3A_71 = vector.broadcast %shift_right_arithmetic3A_70 : i32 to vector<1x2048xi32>
    %shift_right_arithmetic3A_72 = arith.shrsi %get3A_69, %shift_right_arithmetic3A_71 : vector<1x2048xi32>
    %and3A_73 = arith.constant 7 : i32
    %and3A_74 = vector.broadcast %and3A_73 : i32 to vector<1x2048xi32>
    %and3A_75 = arith.andi %get3A_69, %and3A_74 : vector<1x2048xi32>
    %eq3A_76 = vector.broadcast %shift_right_arithmetic3A_72 : vector<1x2048xi32> to vector<288x2048xi32>
    %eq3A_77 = arith.cmpi eq, %iota3A, %eq3A_76 : vector<288x2048xi32>
    %convert_element_type3A_78 = arith.extui %eq3A_77 : vector<288x2048xi1> to vector<288x2048xi32>
    %convert_element_type3A_79 = arith.sitofp %convert_element_type3A_78 : vector<288x2048xi32> to vector<288x2048xf32>
    %eq3A_80 = vector.broadcast %and3A_75 : vector<1x2048xi32> to vector<7x2048xi32>
    %eq3A_81 = arith.cmpi eq, %iota3A_0, %eq3A_80 : vector<7x2048xi32>
    %convert_element_type3A_82 = arith.extui %eq3A_81 : vector<7x2048xi1> to vector<7x2048xi32>
    %convert_element_type3A_83 = arith.sitofp %convert_element_type3A_82 : vector<7x2048xi32> to vector<7x2048xf32>
    %get3A_84 = arith.constant 0 : index
    %get3A_85 = arith.constant 0 : index
    %get3A_86 = vector.load %arg2[%get3A_84, %get3A_85] : memref<288x128xf32, #tpu.memory_space<vmem>>, vector<288x128xf32>
    %dot_general3A_87 = arith.constant dense<0.000000e+00> : vector<128x2048xf32>
    %dot_general3A_88 = tpu.matmul %get3A_86, %convert_element_type3A_79, %dot_general3A_87 {dimension_numbers = #tpu.dot_dimension_numbers<[0], [0], [1], [1], [0, 1, 1, 1], [], []>, transpose_lhs_hint = false} : vector<288x128xf32>, vector<288x2048xf32>, vector<128x2048xf32> -> vector<128x2048xf32>
    %get3A_89 = arith.constant 0 : index
    %get3A_90 = arith.constant 0 : index
    %get3A_91 = vector.load %arg3[%get3A_89, %get3A_90] : memref<7x128xf32, #tpu.memory_space<vmem>>, vector<7x128xf32>
    %dot_general3A_92 = arith.constant dense<0.000000e+00> : vector<128x2048xf32>
    %dot_general3A_93 = tpu.matmul %get3A_91, %convert_element_type3A_83, %dot_general3A_92 {dimension_numbers = #tpu.dot_dimension_numbers<[0], [0], [1], [1], [0, 1, 1, 1], [], []>, transpose_lhs_hint = false} : vector<7x128xf32>, vector<7x2048xf32>, vector<128x2048xf32> -> vector<128x2048xf32>
    %add3A_94 = arith.addf %dot_general3A_88, %dot_general3A_93 : vector<128x2048xf32>
    %swap3A_95 = arith.constant 2 : index
    %swap3A_96 = arith.constant 0 : index
    %swap3A_97 = arith.constant 0 : index
    %swap3A_98 = vector.load %arg4[%swap3A_95, %swap3A_96, %swap3A_97] : memref<8x128x2048xf32, #tpu.memory_space<vmem>>, vector<1x128x2048xf32>
    %swap3A_99 = vector.shape_cast %swap3A_98 : vector<1x128x2048xf32> to vector<128x2048xf32>
    %swap3A_100 = vector.shape_cast %add3A_94 : vector<128x2048xf32> to vector<1x128x2048xf32>
    tpu.vector_store %arg4[%swap3A_95, %swap3A_96, %swap3A_97], %swap3A_100 {strides = array<i32>} : memref<8x128x2048xf32, #tpu.memory_space<vmem>>, vector<1x128x2048xf32>,
    %get3A_101 = arith.constant 0 : index
    %get3A_102 = arith.constant 3 : index
    %get3A_103 = arith.constant 0 : index
    %get3A_104 = vector.load %arg1[%get3A_101, %get3A_102, %get3A_103] : memref<1x8x2048xi32, #tpu.memory_space<vmem>>, vector<1x1x2048xi32>
    %get3A_105 = vector.shape_cast %get3A_104 : vector<1x1x2048xi32> to vector<1x2048xi32>
    %shift_right_arithmetic3A_106 = arith.constant 3 : i32
    %shift_right_arithmetic3A_107 = vector.broadcast %shift_right_arithmetic3A_106 : i32 to vector<1x2048xi32>
    %shift_right_arithmetic3A_108 = arith.shrsi %get3A_105, %shift_right_arithmetic3A_107 : vector<1x2048xi32>
    %and3A_109 = arith.constant 7 : i32
    %and3A_110 = vector.broadcast %and3A_109 : i32 to vector<1x2048xi32>
    %and3A_111 = arith.andi %get3A_105, %and3A_110 : vector<1x2048xi32>
    %eq3A_112 = vector.broadcast %shift_right_arithmetic3A_108 : vector<1x2048xi32> to vector<288x2048xi32>
    %eq3A_113 = arith.cmpi eq, %iota3A, %eq3A_112 : vector<288x2048xi32>
    %convert_element_type3A_114 = arith.extui %eq3A_113 : vector<288x2048xi1> to vector<288x2048xi32>
    %convert_element_type3A_115 = arith.sitofp %convert_element_type3A_114 : vector<288x2048xi32> to vector<288x2048xf32>
    %eq3A_116 = vector.broadcast %and3A_111 : vector<1x2048xi32> to vector<7x2048xi32>
    %eq3A_117 = arith.cmpi eq, %iota3A_0, %eq3A_116 : vector<7x2048xi32>
    %convert_element_type3A_118 = arith.extui %eq3A_117 : vector<7x2048xi1> to vector<7x2048xi32>
    %convert_element_type3A_119 = arith.sitofp %convert_element_type3A_118 : vector<7x2048xi32> to vector<7x2048xf32>
    %get3A_120 = arith.constant 0 : index
    %get3A_121 = arith.constant 0 : index
    %get3A_122 = vector.load %arg2[%get3A_120, %get3A_121] : memref<288x128xf32, #tpu.memory_space<vmem>>, vector<288x128xf32>
    %dot_general3A_123 = arith.constant dense<0.000000e+00> : vector<128x2048xf32>
    %dot_general3A_124 = tpu.matmul %get3A_122, %convert_element_type3A_115, %dot_general3A_123 {dimension_numbers = #tpu.dot_dimension_numbers<[0], [0], [1], [1], [0, 1, 1, 1], [], []>, transpose_lhs_hint = false} : vector<288x128xf32>, vector<288x2048xf32>, vector<128x2048xf32> -> vector<128x2048xf32>
    %get3A_125 = arith.constant 0 : index
    %get3A_126 = arith.constant 0 : index
    %get3A_127 = vector.load %arg3[%get3A_125, %get3A_126] : memref<7x128xf32, #tpu.memory_space<vmem>>, vector<7x128xf32>
    %dot_general3A_128 = arith.constant dense<0.000000e+00> : vector<128x2048xf32>
    %dot_general3A_129 = tpu.matmul %get3A_127, %convert_element_type3A_119, %dot_general3A_128 {dimension_numbers = #tpu.dot_dimension_numbers<[0], [0], [1], [1], [0, 1, 1, 1], [], []>, transpose_lhs_hint = false} : vector<7x128xf32>, vector<7x2048xf32>, vector<128x2048xf32> -> vector<128x2048xf32>
    %add3A_130 = arith.addf %dot_general3A_124, %dot_general3A_129 : vector<128x2048xf32>
    %swap3A_131 = arith.constant 3 : index
    %swap3A_132 = arith.constant 0 : index
    %swap3A_133 = arith.constant 0 : index
    %swap3A_134 = vector.load %arg4[%swap3A_131, %swap3A_132, %swap3A_133] : memref<8x128x2048xf32, #tpu.memory_space<vmem>>, vector<1x128x2048xf32>
    %swap3A_135 = vector.shape_cast %swap3A_134 : vector<1x128x2048xf32> to vector<128x2048xf32>
    %swap3A_136 = vector.shape_cast %add3A_130 : vector<128x2048xf32> to vector<1x128x2048xf32>
    tpu.vector_store %arg4[%swap3A_131, %swap3A_132, %swap3A_133], %swap3A_136 {strides = array<i32>} : memref<8x128x2048xf32, #tpu.memory_space<vmem>>, vector<1x128x2048xf32>,
    %get3A_137 = arith.constant 0 : index
    %get3A_138 = arith.constant 4 : index
    %get3A_139 = arith.constant 0 : index
    %get3A_140 = vector.load %arg1[%get3A_137, %get3A_138, %get3A_139] : memref<1x8x2048xi32, #tpu.memory_space<vmem>>, vector<1x1x2048xi32>
    %get3A_141 = vector.shape_cast %get3A_140 : vector<1x1x2048xi32> to vector<1x2048xi32>
    %shift_right_arithmetic3A_142 = arith.constant 3 : i32
    %shift_right_arithmetic3A_143 = vector.broadcast %shift_right_arithmetic3A_142 : i32 to vector<1x2048xi32>
    %shift_right_arithmetic3A_144 = arith.shrsi %get3A_141, %shift_right_arithmetic3A_143 : vector<1x2048xi32>
    %and3A_145 = arith.constant 7 : i32
    %and3A_146 = vector.broadcast %and3A_145 : i32 to vector<1x2048xi32>
    %and3A_147 = arith.andi %get3A_141, %and3A_146 : vector<1x2048xi32>
    %eq3A_148 = vector.broadcast %shift_right_arithmetic3A_144 : vector<1x2048xi32> to vector<288x2048xi32>
    %eq3A_149 = arith.cmpi eq, %iota3A, %eq3A_148 : vector<288x2048xi32>
    %convert_element_type3A_150 = arith.extui %eq3A_149 : vector<288x2048xi1> to vector<288x2048xi32>
    %convert_element_type3A_151 = arith.sitofp %convert_element_type3A_150 : vector<288x2048xi32> to vector<288x2048xf32>
    %eq3A_152 = vector.broadcast %and3A_147 : vector<1x2048xi32> to vector<7x2048xi32>
    %eq3A_153 = arith.cmpi eq, %iota3A_0, %eq3A_152 : vector<7x2048xi32>
    %convert_element_type3A_154 = arith.extui %eq3A_153 : vector<7x2048xi1> to vector<7x2048xi32>
    %convert_element_type3A_155 = arith.sitofp %convert_element_type3A_154 : vector<7x2048xi32> to vector<7x2048xf32>
    %get3A_156 = arith.constant 0 : index
    %get3A_157 = arith.constant 0 : index
    %get3A_158 = vector.load %arg2[%get3A_156, %get3A_157] : memref<288x128xf32, #tpu.memory_space<vmem>>, vector<288x128xf32>
    %dot_general3A_159 = arith.constant dense<0.000000e+00> : vector<128x2048xf32>
    %dot_general3A_160 = tpu.matmul %get3A_158, %convert_element_type3A_151, %dot_general3A_159 {dimension_numbers = #tpu.dot_dimension_numbers<[0], [0], [1], [1], [0, 1, 1, 1], [], []>, transpose_lhs_hint = false} : vector<288x128xf32>, vector<288x2048xf32>, vector<128x2048xf32> -> vector<128x2048xf32>
    %get3A_161 = arith.constant 0 : index
    %get3A_162 = arith.constant 0 : index
    %get3A_163 = vector.load %arg3[%get3A_161, %get3A_162] : memref<7x128xf32, #tpu.memory_space<vmem>>, vector<7x128xf32>
    %dot_general3A_164 = arith.constant dense<0.000000e+00> : vector<128x2048xf32>
    %dot_general3A_165 = tpu.matmul %get3A_163, %convert_element_type3A_155, %dot_general3A_164 {dimension_numbers = #tpu.dot_dimension_numbers<[0], [0], [1], [1], [0, 1, 1, 1], [], []>, transpose_lhs_hint = false} : vector<7x128xf32>, vector<7x2048xf32>, vector<128x2048xf32> -> vector<128x2048xf32>
    %add3A_166 = arith.addf %dot_general3A_160, %dot_general3A_165 : vector<128x2048xf32>
    %swap3A_167 = arith.constant 4 : index
    %swap3A_168 = arith.constant 0 : index
    %swap3A_169 = arith.constant 0 : index
    %swap3A_170 = vector.load %arg4[%swap3A_167, %swap3A_168, %swap3A_169] : memref<8x128x2048xf32, #tpu.memory_space<vmem>>, vector<1x128x2048xf32>
    %swap3A_171 = vector.shape_cast %swap3A_170 : vector<1x128x2048xf32> to vector<128x2048xf32>
    %swap3A_172 = vector.shape_cast %add3A_166 : vector<128x2048xf32> to vector<1x128x2048xf32>
    tpu.vector_store %arg4[%swap3A_167, %swap3A_168, %swap3A_169], %swap3A_172 {strides = array<i32>} : memref<8x128x2048xf32, #tpu.memory_space<vmem>>, vector<1x128x2048xf32>,
    %get3A_173 = arith.constant 0 : index
    %get3A_174 = arith.constant 5 : index
    %get3A_175 = arith.constant 0 : index
    %get3A_176 = vector.load %arg1[%get3A_173, %get3A_174, %get3A_175] : memref<1x8x2048xi32, #tpu.memory_space<vmem>>, vector<1x1x2048xi32>
    %get3A_177 = vector.shape_cast %get3A_176 : vector<1x1x2048xi32> to vector<1x2048xi32>
    %shift_right_arithmetic3A_178 = arith.constant 3 : i32
    %shift_right_arithmetic3A_179 = vector.broadcast %shift_right_arithmetic3A_178 : i32 to vector<1x2048xi32>
    %shift_right_arithmetic3A_180 = arith.shrsi %get3A_177, %shift_right_arithmetic3A_179 : vector<1x2048xi32>
    %and3A_181 = arith.constant 7 : i32
    %and3A_182 = vector.broadcast %and3A_181 : i32 to vector<1x2048xi32>
    %and3A_183 = arith.andi %get3A_177, %and3A_182 : vector<1x2048xi32>
    %eq3A_184 = vector.broadcast %shift_right_arithmetic3A_180 : vector<1x2048xi32> to vector<288x2048xi32>
    %eq3A_185 = arith.cmpi eq, %iota3A, %eq3A_184 : vector<288x2048xi32>
    %convert_element_type3A_186 = arith.extui %eq3A_185 : vector<288x2048xi1> to vector<288x2048xi32>
    %convert_element_type3A_187 = arith.sitofp %convert_element_type3A_186 : vector<288x2048xi32> to vector<288x2048xf32>
    %eq3A_188 = vector.broadcast %and3A_183 : vector<1x2048xi32> to vector<7x2048xi32>
    %eq3A_189 = arith.cmpi eq, %iota3A_0, %eq3A_188 : vector<7x2048xi32>
    %convert_element_type3A_190 = arith.extui %eq3A_189 : vector<7x2048xi1> to vector<7x2048xi32>
    %convert_element_type3A_191 = arith.sitofp %convert_element_type3A_190 : vector<7x2048xi32> to vector<7x2048xf32>
    %get3A_192 = arith.constant 0 : index
    %get3A_193 = arith.constant 0 : index
    %get3A_194 = vector.load %arg2[%get3A_192, %get3A_193] : memref<288x128xf32, #tpu.memory_space<vmem>>, vector<288x128xf32>
    %dot_general3A_195 = arith.constant dense<0.000000e+00> : vector<128x2048xf32>
    %dot_general3A_196 = tpu.matmul %get3A_194, %convert_element_type3A_187, %dot_general3A_195 {dimension_numbers = #tpu.dot_dimension_numbers<[0], [0], [1], [1], [0, 1, 1, 1], [], []>, transpose_lhs_hint = false} : vector<288x128xf32>, vector<288x2048xf32>, vector<128x2048xf32> -> vector<128x2048xf32>
    %get3A_197 = arith.constant 0 : index
    %get3A_198 = arith.constant 0 : index
    %get3A_199 = vector.load %arg3[%get3A_197, %get3A_198] : memref<7x128xf32, #tpu.memory_space<vmem>>, vector<7x128xf32>
    %dot_general3A_200 = arith.constant dense<0.000000e+00> : vector<128x2048xf32>
    %dot_general3A_201 = tpu.matmul %get3A_199, %convert_element_type3A_191, %dot_general3A_200 {dimension_numbers = #tpu.dot_dimension_numbers<[0], [0], [1], [1], [0, 1, 1, 1], [], []>, transpose_lhs_hint = false} : vector<7x128xf32>, vector<7x2048xf32>, vector<128x2048xf32> -> vector<128x2048xf32>
    %add3A_202 = arith.addf %dot_general3A_196, %dot_general3A_201 : vector<128x2048xf32>
    %swap3A_203 = arith.constant 5 : index
    %swap3A_204 = arith.constant 0 : index
    %swap3A_205 = arith.constant 0 : index
    %swap3A_206 = vector.load %arg4[%swap3A_203, %swap3A_204, %swap3A_205] : memref<8x128x2048xf32, #tpu.memory_space<vmem>>, vector<1x128x2048xf32>
    %swap3A_207 = vector.shape_cast %swap3A_206 : vector<1x128x2048xf32> to vector<128x2048xf32>
    %swap3A_208 = vector.shape_cast %add3A_202 : vector<128x2048xf32> to vector<1x128x2048xf32>
    tpu.vector_store %arg4[%swap3A_203, %swap3A_204, %swap3A_205], %swap3A_208 {strides = array<i32>} : memref<8x128x2048xf32, #tpu.memory_space<vmem>>, vector<1x128x2048xf32>,
    %get3A_209 = arith.constant 0 : index
    %get3A_210 = arith.constant 6 : index
    %get3A_211 = arith.constant 0 : index
    %get3A_212 = vector.load %arg1[%get3A_209, %get3A_210, %get3A_211] : memref<1x8x2048xi32, #tpu.memory_space<vmem>>, vector<1x1x2048xi32>
    %get3A_213 = vector.shape_cast %get3A_212 : vector<1x1x2048xi32> to vector<1x2048xi32>
    %shift_right_arithmetic3A_214 = arith.constant 3 : i32
    %shift_right_arithmetic3A_215 = vector.broadcast %shift_right_arithmetic3A_214 : i32 to vector<1x2048xi32>
    %shift_right_arithmetic3A_216 = arith.shrsi %get3A_213, %shift_right_arithmetic3A_215 : vector<1x2048xi32>
    %and3A_217 = arith.constant 7 : i32
    %and3A_218 = vector.broadcast %and3A_217 : i32 to vector<1x2048xi32>
    %and3A_219 = arith.andi %get3A_213, %and3A_218 : vector<1x2048xi32>
    %eq3A_220 = vector.broadcast %shift_right_arithmetic3A_216 : vector<1x2048xi32> to vector<288x2048xi32>
    %eq3A_221 = arith.cmpi eq, %iota3A, %eq3A_220 : vector<288x2048xi32>
    %convert_element_type3A_222 = arith.extui %eq3A_221 : vector<288x2048xi1> to vector<288x2048xi32>
    %convert_element_type3A_223 = arith.sitofp %convert_element_type3A_222 : vector<288x2048xi32> to vector<288x2048xf32>
    %eq3A_224 = vector.broadcast %and3A_219 : vector<1x2048xi32> to vector<7x2048xi32>
    %eq3A_225 = arith.cmpi eq, %iota3A_0, %eq3A_224 : vector<7x2048xi32>
    %convert_element_type3A_226 = arith.extui %eq3A_225 : vector<7x2048xi1> to vector<7x2048xi32>
    %convert_element_type3A_227 = arith.sitofp %convert_element_type3A_226 : vector<7x2048xi32> to vector<7x2048xf32>
    %get3A_228 = arith.constant 0 : index
    %get3A_229 = arith.constant 0 : index
    %get3A_230 = vector.load %arg2[%get3A_228, %get3A_229] : memref<288x128xf32, #tpu.memory_space<vmem>>, vector<288x128xf32>
    %dot_general3A_231 = arith.constant dense<0.000000e+00> : vector<128x2048xf32>
    %dot_general3A_232 = tpu.matmul %get3A_230, %convert_element_type3A_223, %dot_general3A_231 {dimension_numbers = #tpu.dot_dimension_numbers<[0], [0], [1], [1], [0, 1, 1, 1], [], []>, transpose_lhs_hint = false} : vector<288x128xf32>, vector<288x2048xf32>, vector<128x2048xf32> -> vector<128x2048xf32>
    %get3A_233 = arith.constant 0 : index
    %get3A_234 = arith.constant 0 : index
    %get3A_235 = vector.load %arg3[%get3A_233, %get3A_234] : memref<7x128xf32, #tpu.memory_space<vmem>>, vector<7x128xf32>
    %dot_general3A_236 = arith.constant dense<0.000000e+00> : vector<128x2048xf32>
    %dot_general3A_237 = tpu.matmul %get3A_235, %convert_element_type3A_227, %dot_general3A_236 {dimension_numbers = #tpu.dot_dimension_numbers<[0], [0], [1], [1], [0, 1, 1, 1], [], []>, transpose_lhs_hint = false} : vector<7x128xf32>, vector<7x2048xf32>, vector<128x2048xf32> -> vector<128x2048xf32>
    %add3A_238 = arith.addf %dot_general3A_232, %dot_general3A_237 : vector<128x2048xf32>
    %swap3A_239 = arith.constant 6 : index
    %swap3A_240 = arith.constant 0 : index
    %swap3A_241 = arith.constant 0 : index
    %swap3A_242 = vector.load %arg4[%swap3A_239, %swap3A_240, %swap3A_241] : memref<8x128x2048xf32, #tpu.memory_space<vmem>>, vector<1x128x2048xf32>
    %swap3A_243 = vector.shape_cast %swap3A_242 : vector<1x128x2048xf32> to vector<128x2048xf32>
    %swap3A_244 = vector.shape_cast %add3A_238 : vector<128x2048xf32> to vector<1x128x2048xf32>
    tpu.vector_store %arg4[%swap3A_239, %swap3A_240, %swap3A_241], %swap3A_244 {strides = array<i32>} : memref<8x128x2048xf32, #tpu.memory_space<vmem>>, vector<1x128x2048xf32>,
    %get3A_245 = arith.constant 0 : index
    %get3A_246 = arith.constant 7 : index
    %get3A_247 = arith.constant 0 : index
    %get3A_248 = vector.load %arg1[%get3A_245, %get3A_246, %get3A_247] : memref<1x8x2048xi32, #tpu.memory_space<vmem>>, vector<1x1x2048xi32>
    %get3A_249 = vector.shape_cast %get3A_248 : vector<1x1x2048xi32> to vector<1x2048xi32>
    %shift_right_arithmetic3A_250 = arith.constant 3 : i32
    %shift_right_arithmetic3A_251 = vector.broadcast %shift_right_arithmetic3A_250 : i32 to vector<1x2048xi32>
    %shift_right_arithmetic3A_252 = arith.shrsi %get3A_249, %shift_right_arithmetic3A_251 : vector<1x2048xi32>
    %and3A_253 = arith.constant 7 : i32
    %and3A_254 = vector.broadcast %and3A_253 : i32 to vector<1x2048xi32>
    %and3A_255 = arith.andi %get3A_249, %and3A_254 : vector<1x2048xi32>
    %eq3A_256 = vector.broadcast %shift_right_arithmetic3A_252 : vector<1x2048xi32> to vector<288x2048xi32>
    %eq3A_257 = arith.cmpi eq, %iota3A, %eq3A_256 : vector<288x2048xi32>
    %convert_element_type3A_258 = arith.extui %eq3A_257 : vector<288x2048xi1> to vector<288x2048xi32>
    %convert_element_type3A_259 = arith.sitofp %convert_element_type3A_258 : vector<288x2048xi32> to vector<288x2048xf32>
    %eq3A_260 = vector.broadcast %and3A_255 : vector<1x2048xi32> to vector<7x2048xi32>
    %eq3A_261 = arith.cmpi eq, %iota3A_0, %eq3A_260 : vector<7x2048xi32>
    %convert_element_type3A_262 = arith.extui %eq3A_261 : vector<7x2048xi1> to vector<7x2048xi32>
    %convert_element_type3A_263 = arith.sitofp %convert_element_type3A_262 : vector<7x2048xi32> to vector<7x2048xf32>
    %get3A_264 = arith.constant 0 : index
    %get3A_265 = arith.constant 0 : index
    %get3A_266 = vector.load %arg2[%get3A_264, %get3A_265] : memref<288x128xf32, #tpu.memory_space<vmem>>, vector<288x128xf32>
    %dot_general3A_267 = arith.constant dense<0.000000e+00> : vector<128x2048xf32>
    %dot_general3A_268 = tpu.matmul %get3A_266, %convert_element_type3A_259, %dot_general3A_267 {dimension_numbers = #tpu.dot_dimension_numbers<[0], [0], [1], [1], [0, 1, 1, 1], [], []>, transpose_lhs_hint = false} : vector<288x128xf32>, vector<288x2048xf32>, vector<128x2048xf32> -> vector<128x2048xf32>
    %get3A_269 = arith.constant 0 : index
    %get3A_270 = arith.constant 0 : index
    %get3A_271 = vector.load %arg3[%get3A_269, %get3A_270] : memref<7x128xf32, #tpu.memory_space<vmem>>, vector<7x128xf32>
    %dot_general3A_272 = arith.constant dense<0.000000e+00> : vector<128x2048xf32>
    %dot_general3A_273 = tpu.matmul %get3A_271, %convert_element_type3A_263, %dot_general3A_272 {dimension_numbers = #tpu.dot_dimension_numbers<[0], [0], [1], [1], [0, 1, 1, 1], [], []>, transpose_lhs_hint = false} : vector<7x128xf32>, vector<7x2048xf32>, vector<128x2048xf32> -> vector<128x2048xf32>
    %add3A_274 = arith.addf %dot_general3A_268, %dot_general3A_273 : vector<128x2048xf32>
    %swap3A_275 = arith.constant 7 : index
    %swap3A_276 = arith.constant 0 : index
    %swap3A_277 = arith.constant 0 : index
    %swap3A_278 = vector.load %arg4[%swap3A_275, %swap3A_276, %swap3A_277] : memref<8x128x2048xf32, #tpu.memory_space<vmem>>, vector<1x128x2048xf32>
    %swap3A_279 = vector.shape_cast %swap3A_278 : vector<1x128x2048xf32> to vector<128x2048xf32>
    %swap3A_280 = vector.shape_cast %add3A_274 : vector<128x2048xf32> to vector<1x128x2048xf32>
    tpu.vector_store %arg4[%swap3A_275, %swap3A_276, %swap3A_277], %swap3A_280 {strides = array<i32>} : memref<8x128x2048xf32, #tpu.memory_space<vmem>>, vector<1x128x2048xf32>,
    return
  }
  func.func @transform_0(%arg0: i32) -> (i32, i32, i32) {
    %c0_i32 = arith.constant 0 : i32
    %c0_i32_0 = arith.constant 0 : i32
    %c0_i32_1 = arith.constant 0 : i32
    return %arg0, %c0_i32, %c0_i32_0 : i32, i32, i32
  }
  func.func @transform_1(%arg0: i32) -> (i32, i32) {
    %c0_i32 = arith.constant 0 : i32
    %c0_i32_0 = arith.constant 0 : i32
    %c0_i32_1 = arith.constant 0 : i32
    return %c0_i32, %c0_i32_0 : i32, i32
  }
  func.func @transform_2(%arg0: i32) -> (i32, i32) {
    %c0_i32 = arith.constant 0 : i32
    %c0_i32_0 = arith.constant 0 : i32
    %c0_i32_1 = arith.constant 0 : i32
    return %c0_i32, %c0_i32_0 : i32, i32
  }
  func.func @transform_3(%arg0: i32) -> (i32, i32, i32) {
    %c0_i32 = arith.constant 0 : i32
    %c0_i32_0 = arith.constant 0 : i32
    %c0_i32_1 = arith.constant 0 : i32
    return %arg0, %c0_i32, %c0_i32_0 : i32, i32, i32
  }
}

</mosaic_0001>

<sc_bundles>
// kernel: kernel.4.cloned.1.call-start
scs
__scs_entry_jumppad:
0x0: {  	(pc) =	sbr.rel $0x88, $3  }
0x1: {  	(tag) =	ssettag $0x0;
	lr =	simm.s32 $0x1  }
0x2: {  	[smem:$0x3F9E] =	sst lr;
	_ =	strace $0xD0000000  }
0x3: {  	_ = 	snop  }
0x4: {  	_ = 	snop  }
0x5: {  	_ = 	snop  }
0x6: {  	_ = 	snop  }
0x7: {  	_ = 	snop  }
__scs_overlays_trampoline_lowered:
0x8: {  	[smem:$0x3FAD] =	sst s0  }
0x9: {  	[smem:$0x3FAE] =	sst s1  }
0xa: {  	[smem:$0x3FAF] =	sst s2  }
0xb: {  	[smem:$0x3FB0] =	sst s3  }
0xc: {  	[smem:$0x3FB1] =	sst s4  }
0xd: {  	[smem:$0x3FB2] =	sst s5  }
0xe: {  	[smem:$0x3FB3] =	sst s6  }
0xf: {  	[smem:$0x3FB4] =	sst s7  }
0x10: {  	[smem:$0x3FB5] =	sst s8  }
0x11: {  	[smem:$0x3FB6] =	sst s9;
	s0 =	simm.s32 @!p0 $0x0  }
0x12: {  	s1 =	sld [smem:$0x3F9C];
	s0 =	simm.s32 @p0 $0x1  }
0x13: {  	[smem:$0x3FB7] =	sst s0;
	s0 =	simm.s32 @!p1 $0x0  }
0x14: {  	s2 =	sld [smem:$0x3F9B];
	s0 =	simm.s32 @p1 $0x1  }
0x15: {  	[smem:$0x3FB8] =	sst s0;
	s0 =	simm.s32 @!p2 $0x0  }
0x16: {  	s3 =	sld [smem:$0x3FDB];
	s0 =	simm.s32 @p2 $0x1  }
0x17: {  	s4 =	simm.s32 $0x1BF5;
	[smem:$0x3FBA] =	sst s0  }
0x18: {  	s0 =	sld [smem:$0x3F9D];
	_ =	swait.ge [sflag:s4], $0x0  }
0x19: {  	s7 =	sld [smem:$0x3F9E]  }
0x1a: {  	s8 =	sadd.s32 $0xFFFFE003, lr  }
0x1b: {  	s9 =	sadd.s32 $0xFFFFFEF7, lr;
	s5 =	simm.s32 $0xFFFFFFFF;
	p2 =	slt.u32 s8, $0xFFFFF086  }
0x1c: {  	p1 =	slt.u32 s9, $0xF7A;
	s5 =	simm.s32 @!p2 $0x0  }
0x1d: {  	s5 =	simm.s32 @p1 $0x1;
	p0 =	seq.s32 s7, s2  }
0x1e: {  	s7 =	smul.u32 @!p0 $0xF7A, s2;
	p2 =	seq.s32 @!p0 s5, $0x0  }
0x1f: {  	s9 =	smul.u32 $0xF7A, s1;
	s8 =	simm.s32 @!p0 $0x1BF5;
	p2 =	por !p2, p0  }
0x20: {  	[sflag:s8] =	ssyncset.s32 @!p0 $0xFFFFF086;
	s6 =	sadd.s32 @!p0 s3, s7;
	s7 =	simm.s32 @!p0 $0x108  }
0x21: {  	s3 =	sadd.s32 s3, s9;
	s6 =	sadd.s32 @!p0 $0x88, s6;
	s7 =	simm.s32 @p2 $0x1082  }
0x22: {  	[simem:s7], [sflag:s8] =	dma.local @!p0 [hbm:s6], $0xF7A  }
0x23: {  	s9 =	sor.u32 $0xD0000000, s2;
	s6 =	simm.s32 $0x108;
	_ =	swait.ge @!p0 [sflag:s8], $0x0  }
0x24: {  	s3 =	sadd.s32 $0x88, s3;
	s6 =	simm.s32 @!p1 $0x1082;
	[sflag:s4] =	ssyncset.s32 $0xFFFFF086  }
0x25: {  	[simem:s6], [sflag:s4] =	dma.local [hbm:s3], $0xF7A  }
0x26: {  	[smem:$0x3F9E] =	sst s1;
	(tag) =	ssettag s2;
	_ =	strace s9  }
0x27: {  	s1 =	sld [smem:$0x3FAE]  }
0x28: {  	s2 =	sld [smem:$0x3FAF]  }
0x29: {  	s4 =	sld [smem:$0x3FB1]  }
0x2a: {  	p0 =	seq.s32 s5, $0x0;
	s5 =	sld [smem:$0x3FB2]  }
0x2b: {  	s6 =	sld [smem:$0x3FB3]  }
0x2c: {  	s7 =	sld [smem:$0x3FB4]  }
0x2d: {  	s3 =	simm.s32 $0x108;
	s8 =	sld [smem:$0x3FB5]  }
0x2e: {  	s3 =	simm.s32 @!p0 $0x1082;
	s9 =	sld [smem:$0x3FB6]  }
0x2f: {  	lr =	sadd.s32 s0, s3;
	s0 =	sld [smem:$0x3FAD]  }
0x30: {  	s3 =	sld [smem:$0x3FB0]  }
0x31: {  	[smem:$0x3FB9] =	sst s10  }
0x32: {  	s10 =	sld [smem:$0x3FB7];
	_ =	sdelay $0x3  }
0x33: {  	p0 =	seq.s32 s10, $0x1;
	s10 =	sld [smem:$0x3FB9];
	_ =	sdelay $0x3  }
0x34: {  	[smem:$0x3FB9] =	sst s10  }
0x35: {  	s10 =	sld [smem:$0x3FB8];
	_ =	sdelay $0x3  }
0x36: {  	p1 =	seq.s32 s10, $0x1;
	s10 =	sld [smem:$0x3FB9];
	_ =	sdelay $0x3  }
0x37: {  	[smem:$0x3FB9] =	sst s10  }
0x38: {  	s10 =	sld [smem:$0x3FBA]  }
0x39: {  	_ = 	snop;
	(pc) =	sbr.ind lr, $3  }
0x3a: {  	_ = 	snop  }
0x3b: {  	_ = 	snop  }
0x3c: {  	p2 =	seq.s32 s10, $0x1;
	s10 =	sld [smem:$0x3FB9]  }
0x3d: {  	_ =	shalt  }
0x3e: {  	_ =	shalt  }
0x3f: {  	_ =	shalt  }
0x40: {  	_ =	shalt  }
0x41: {  	_ =	shalt  }
0x42: {  	_ =	shalt  }
0x43: {  	_ =	shalt  }
0x44: {  	_ =	shalt  }
0x45: {  	_ =	shalt  }
0x46: {  	_ =	shalt  }
0x47: {  	_ =	shalt  }
0x48: {  	_ =	shalt  }
0x49: {  	_ =	shalt  }
0x4a: {  	_ =	shalt  }
0x4b: {  	_ =	shalt  }
0x4c: {  	_ =	shalt  }
0x4d: {  	_ =	shalt  }
0x4e: {  	_ =	shalt  }
0x4f: {  	_ =	shalt  }
0x50: {  	_ =	shalt  }
0x51: {  	_ =	shalt  }
0x52: {  	_ =	shalt  }
0x53: {  	_ =	shalt  }
0x54: {  	_ =	shalt  }
0x55: {  	_ =	shalt  }
0x56: {  	_ =	shalt  }
0x57: {  	_ =	shalt  }
0x58: {  	_ =	shalt  }
0x59: {  	_ =	shalt  }
0x5a: {  	_ =	shalt  }
0x5b: {  	_ =	shalt  }
0x5c: {  	_ =	shalt  }
0x5d: {  	_ =	shalt  }
0x5e: {  	_ =	shalt  }
0x5f: {  	_ =	shalt  }
0x60: {  	_ =	shalt  }
0x61: {  	_ =	shalt  }
0x62: {  	_ =	shalt  }
0x63: {  	_ =	shalt  }
0x64: {  	_ =	shalt  }
0x65: {  	_ =	shalt  }
0x66: {  	_ =	shalt  }
0x67: {  	_ =	shalt  }
0x68: {  	_ =	shalt  }
0x69: {  	_ =	shalt  }
0x6a: {  	_ =	shalt  }
0x6b: {  	_ =	shalt  }
0x6c: {  	_ =	shalt  }
0x6d: {  	_ =	shalt  }
0x6e: {  	_ =	shalt  }
0x6f: {  	_ =	shalt  }
0x70: {  	_ =	shalt  }
0x71: {  	_ =	shalt  }
0x72: {  	_ =	shalt  }
0x73: {  	_ =	shalt  }
0x74: {  	_ =	shalt  }
0x75: {  	_ =	shalt  }
0x76: {  	_ =	shalt  }
0x77: {  	_ =	shalt  }
0x78: {  	_ =	shalt  }
0x79: {  	_ =	shalt  }
0x7a: {  	_ =	shalt  }
0x7b: {  	_ =	shalt  }
0x7c: {  	_ =	shalt  }
0x7d: {  	_ =	shalt  }
0x7e: {  	_ =	shalt  }
0x7f: {  	_ =	shalt  }
0x80: {  	_ =	shalt  }
0x81: {  	_ =	shalt  }
0x82: {  	_ =	shalt  }
0x83: {  	_ =	shalt  }
0x84: {  	_ =	shalt  }
0x85: {  	_ =	shalt  }
0x86: {  	_ =	shalt  }
0x87: {  	_ =	shalt  }
.Lfunc_end0:
.L_simem_size_0:
called_computation.1_lowered:
.L_overlay_start_0:
0x88: {  	s2 =	sld [smem:$0x3FD9]  }
0x89: {  	s3 =	sld [smem:$0x3FFE];
	_ =	sdelay $0x1  }
0x8a: {  	s1 =	srdreg.scid  }
0x8b: {  	s0 =	sand.u32 $0x1, s1  }
0x8c: {  	s17 =	sshll.u32 s0, $0xA;
	s2 =	sadd.s32 s3, s2  }
0x8d: {  	s2 =	sadd.s32 s2, s17  }
0x8e: {  	[smem:$0x3FC5] =	sst s2  }
0x8f: {  	_ = 	snop  }
0x90: {  	s2 =	sld [smem:$0x3FD0];
	(tm) =	ssettm $0x1  }
0x91: {  	s18 =	sld [smem:$0x3FFB];
	_ =	sdelay $0x3  }
0x92: {  	_ =	strace s18  }
0x93: {  	s3 =	sld [smem:$0x3FFC];
	_ =	sdelay $0x3  }
0x94: {  	_ =	strace s3  }
0x95: {  	s3 =	sld [smem:$0x3FFD];
	_ =	sdelay $0x3  }
0x96: {  	_ =	strace s3  }
0x97: {  	_ =	strace $0x8FFFFFFF  }
0x98: {  	s19 =	sld [smem:$0x3FDB];
	_ =	sdelay $0x1  }
0x99: {  	s4 =	simm.s32 $_scs_section_size  }
0x9a: {  	s5 =	simm.s32 $_size__tile_overlayer_lowered;
	s6 =	simm.s32 $_tile_overlayer_lowered  }
0x9b: {  	s22 =	simm.s32 $0x1BFF;
	s21 =	sshll.u32 s6, $0x1;
	s3 =	sadd.s32 s4, s19  }
0x9c: {  	s7 =	simm.s32 $0x0;
	s20 =	sshll.u32 s5, $0x1;
	s5 =	sadd.s32 s21, s3  }
0x9d: {  	[timem:s7], [sflag:s22] =	dma.local [hbm:s5], s20  }
0x9e: {  	_ =	swait.ge [sflag:s22], s20  }
0x9f: {  	s4 =	ssub.s32 $0x0, s20;
	[sflag:s22] =	ssyncset.done $0x0  }
0xa0: {  	[sflag:s22] =	ssyncadd.s32 s4;
	_ =	sdelay $0x1  }
0xa1: {  	s23 =	simm.s32 $0x1B8B  }
0xa2: {  	_ =	swait.ge [sflag:s23], $0x1  }
0xa3: {  	[sflag:s23] =	ssyncset.done $0x0  }
0xa4: {  	s25 =	simm.s32 $0x1B8E;
	s24 =	sld [smem:$0x3FFE];
	[sflag:s23] =	ssyncadd.s32 $0xFFFFFFFF  }
0xa5: {  	s26 =	simm.s32 $execute0_lowered;
	[smem:$0x3FD2] =	sst s25  }
0xa6: {  	s5 =	sshll.u32 s26, $0x1;
	_ =	strace $0x80000046;
	[dreg:$0x1] =	wrdreg $0xFFFFFFFF  }
0xa7: {  	s28 =	simm.s32 $_size_execute0_lowered;
	s3 =	sadd.s32 s3, s5;
	[dreg:$0x0] =	wrdreg $0x0  }
0xa8: {  	s5 =	sshll.u32 s28, $0x1;
	[dreg:$0x2] =	wrdreg s3  }
0xa9: {  	[dreg:$0x3] =	wrdreg s5  }
0xaa: {  	[dreg:$0x4] =	wrdreg $0xC0  }
0xab: {  	_ =	task [dreg:s7], $0x5FFFF  }
0xac: {  	[dreg:$0x1] =	wrdreg $0xFFFFFFFF  }
0xad: {  	[dreg:$0x0] =	wrdreg $0x60  }
0xae: {  	[dreg:$0x2] =	wrdreg s2  }
0xaf: {  	[dreg:$0x3] =	wrdreg s24  }
0xb0: {  	[dreg:$0x4] =	wrdreg $0x9  }
0xb1: {  	_ =	task.clear_ibuf [dreg:s7], $0x5FFFF;
	_ =	strace $0x90000046  }
0xb2: {  	s29 =	simm.s32 $0x9;
	_ =	strace $0x80000048  }
0xb3: {  	_ =	swait.ge [sflag:s29], $0x1  }
0xb4: {  	[sflag:s29] =	ssyncadd.s32 $0xFFFFFFFF  }
0xb5: {  	_ =	strace $0x90000048  }
0xb6: {  	_ =	sfence  }
0xb7: {  	s30 =	sld [smem:$0x0];
	_ =	sdelay $0x2  }
0xb8: {  	s31 =	sshll.u32 s1, $0xD;
	s1 =	sshrl.u32 s1, $0x2  }
0xb9: {  	s3 =	sand.u32 $0x4000, s31;
	s1 =	sadd.s32 s1, s30  }
0xba: {  	s0 =	sor.u32 s3, s0;
	s1 =	sshll.u32 s1, $0x11  }
0xbb: {  	s0 =	sor.u32 s1, s0  }
0xbc: {  	s0 =	sadd.s32 $0x8F2B, s0  }
0xbd: {  	[sflag:s0] =	ssyncadd.remote.s32 $0x1  }
0xbe: {  	_ =	sfence.sel $0xFFFF  }
0xbf: {  	[dreg:$0x0] =	wrdreg $0xFFFFFFFF;
	(pc) =	sbr.abs _section_cstart, $3  }
0xc0: {  	[dreg:$0x1] =	wrdreg $0xFFFFFFFF  }
0xc1: {  	_ =	task.clear_ibuf [dreg:s7], $0x2FFFF;
	_ =	strace $0x9FFFFFFF  }
0xc2: {  	(tm) =	ssettm $0x7FFFFFFF  }
0xc3: {  	_ =	shalt  }
tec
execute0_lowered:
.L_overlay_start_1:
0x0: {  	(tag) =	ssettag $0x1  }
0x1: {  	s5 =	rddreg [dreg:$0x0]  }
0x2: {  	s3 =	rddreg [dreg:$0x1]  }
0x3: {  	s0 =	rddreg [dreg:$0x2];
	s2 =	simm.s32 $0x0;
	s4 =	srdreg.scid  }
0x4: {  	s1 =	stileid.u32;
	s11 =	simm.s32 $0x1000;
	s12 =	simm.s32 $0x0  }
0x5: {  	[smem:$0x7FF] =	sst s2;
	s4 =	sand.u32 $0x1, s4;
	s7 =	sshll.u32 s1, $0x2  }
0x6: {  	s26 =	sadd.s32 $0xE00, s3;
	s6 =	ssub.s32 $0x2, s4;
	s4 =	sshll.u32 s4, $0x1  }
0x7: {  	s29 =	sshll.u32 s1, $0xD;
	s8 =	sshrl.u32 s6, $0x1;
	s4 =	sor.u32 s4, s7  }
0x8: {  	_ =	strace $0x80000047;
	s8 =	ssub.s32 s6, s8;
	s28 =	sor.u32 $0x1, s4  }
0x9: {  	s9 =	sshll.u32 s4, $0x7;
	s4 =	sshll.u32 s4, $0x9;
	s10 =	sshll.u32 s28, $0x7  }
0xa: {  	s9 =	sor.u32 s29, s9;
	s3 =	sadd.s32 s5, s4;
	s6 =	sshll.u32 s28, $0x9  }
0xb: {  	s7 =	smax.u32 s8, $0x1;
	s8 =	simm.s32 $0x1;
	s10 =	sor.u32 s29, s10  }
0xc: {  	s30 =	sand.u32 $0x1C300, s9;
	s5 =	sadd.s32 s5, s6;
	s31 =	sand.u32 $0x1C380, s10  }
0xd: {  	s4 =	sshrl.u32 s30, $0x3;
	s10 =	simm.s32 $0x400;
	s9 =	sshrl.u32 s31, $0x3  }
0xe: {  	s4 =	sadd.s32 s26, s4;
	s6 =	sadd.s32 s26, s9;
	s9 =	simm.s32 $0x80  }
.LBB2_1:
0xf: {  	[tilespmem:s2], [sflag:$0x1] =	stream.linear.gather [hbm4b:s3+s2], $0x1000, $0x38;
	[tilespmem:$0x1800] =	vst v63  }
0x10: {  	_ =	swait.ge [sflag:s8], $0x1000  }
0x11: {  	s13 =	sand.u32 $0x70, s2;
	s14 =	sand.u32 $0xF00, s2;
	[sflag:s8] =	ssyncset.done $0x0  }
0x12: {  	s13 =	sor.u32 s13, s14;
	[sflag:s8] =	ssyncadd.s32 $0xFFFFF000  }
0x13: {  	v0 =	vld [tilespmem:s13+$0x0];
	_ =	sdelay $0x2  }
0x14: {  	v1 =	vld [tilespmem:s13+$0x80];
	_ =	sdelay $0x1  }
0x15: {  	v0 =	vmul.f32 $2.880000000e+02, v0;
	_ =	sdelay $0x1  }
0x16: {  	v0 =	vmax.f32 v0, $0.0e+00  }
0x17: {  	v1 =	vmax.f32 v1, $0.0e+00;
	v0 =	vmin.f32 v0, $2.870000000e+02  }
0x18: {  	v1 =	vmin.f32 v1, $6.000000000e+00;
	v0 =	vtrunc.f32 v0  }
0x19: {  	v1 =	vtrunc.f32 v1;
	v0 =	vcvt.f32.s32 v0  }
0x1a: {  	v1 =	vcvt.f32.s32 v1  }
0x1b: {  	s31 =	simm.s32 $0x10;
	s15 =	simm.s32 $0x20;
	s14 =	simm.s32 $0x20;
	v0 =	vshll.u32 v0, $0x3  }
0x1c: {  	s16 =	sand.u32 $0x70, s31;
	s17 =	sand.u32 $0xF00, s14;
	s13 =	simm.s32 $0x1000;
	v0 =	vadd.s32 v1, v0  }
.LBB2_2:
0x1d: {  	p0 =	sne.s32 s15, $0x7F0;
	s16 =	sor.u32 s16, s17;
	[tilespmem:s13+$0x0] =	vst v0  }
0x1e: {  	v0 =	vld [tilespmem:s16+$0x0];
	_ =	sdelay $0x2  }
0x1f: {  	v1 =	vld [tilespmem:s16+$0x80];
	_ =	sdelay $0x1  }
0x20: {  	v0 =	vmul.f32 $2.880000000e+02, v0;
	_ =	sdelay $0x1  }
0x21: {  	v0 =	vmax.f32 v0, $0.0e+00  }
0x22: {  	v0 =	vmin.f32 v0, $2.870000000e+02;
	v1 =	vmax.f32 v1, $0.0e+00  }
.Ltmp0:
0x23: {  	v0 =	vtrunc.f32 v0;
	v1 =	vmin.f32 v1, $6.000000000e+00;
	(pc) =	sbr.rel @p0 .LBB2_2-.Ltmp0, $4  }
0x24: {  	v0 =	vcvt.f32.s32 v0;
	v1 =	vtrunc.f32 v1  }
0x25: {  	v1 =	vcvt.f32.s32 v1  }
0x26: {  	s14 =	sadd.s32 $0x20, s14;
	s13 =	sadd.s32 $0x10, s13;
	v0 =	vshll.u32 v0, $0x3  }
0x27: {  	s17 =	sand.u32 $0xF00, s14;
	s16 =	sand.u32 $0x70, s15;
	s15 =	sadd.s32 $0x10, s15;
	v0 =	vadd.s32 v1, v0  }
0x28: {  	s14 =	sor.u32 s16, s17;
	[tilespmem:s13+$0x0] =	vst v0  }
0x29: {  	v0 =	vld [tilespmem:s14+$0x0];
	_ =	sdelay $0x2  }
0x2a: {  	v1 =	vld [tilespmem:s14+$0x80];
	_ =	sdelay $0x1  }
0x2b: {  	v0 =	vmul.f32 $2.880000000e+02, v0;
	_ =	sdelay $0x1  }
0x2c: {  	v0 =	vmax.f32 v0, $0.0e+00  }
0x2d: {  	v1 =	vmax.f32 v1, $0.0e+00;
	v0 =	vmin.f32 v0, $2.870000000e+02  }
0x2e: {  	v1 =	vmin.f32 v1, $6.000000000e+00;
	v0 =	vtrunc.f32 v0  }
0x2f: {  	v1 =	vtrunc.f32 v1;
	v0 =	vcvt.f32.s32 v0  }
0x30: {  	v1 =	vcvt.f32.s32 v1  }
0x31: {  	v0 =	vshll.u32 v0, $0x3  }
0x32: {  	s29 =	sadd.s32 $0x10, s13;
	v0 =	vadd.s32 v1, v0  }
0x33: {  	s13 =	simm.s32 $0x1000;
	[tilespmem:s29+$0x0] =	vst v0  }
0x34: {  	[hbm4b:s4+s9] =	stream.strided.scatter [tilespmem:s13], [sflag:$0x1], $0x800, s10, s9, $0x38;
	[tilespmem:$0x1800] =	vst v63  }
0x35: {  	_ =	swait.ge [sflag:s8], $0x800  }
0x36: {  	[sflag:s8] =	ssyncset.done $0x0  }
0x37: {  	s30 =	simm.s32 $0x0;
	[sflag:s8] =	ssyncadd.s32 $0xFFFFF800  }
0x38: {  	[tilespmem:s30], [sflag:$0x1] =	stream.linear.gather [hbm4b:s5+s30], $0x1000, $0x38;
	[tilespmem:$0x1800] =	vst v63  }
0x39: {  	_ =	swait.ge [sflag:s8], $0x1000  }
0x3a: {  	s15 =	sand.u32 $0x70, s30;
	s14 =	sand.u32 $0xF00, s30;
	[sflag:s8] =	ssyncset.done $0x0  }
0x3b: {  	s14 =	sor.u32 s15, s14;
	[sflag:s8] =	ssyncadd.s32 $0xFFFFF000  }
0x3c: {  	v0 =	vld [tilespmem:s14+$0x0];
	_ =	sdelay $0x2  }
0x3d: {  	v1 =	vld [tilespmem:s14+$0x80];
	_ =	sdelay $0x1  }
0x3e: {  	v0 =	vmul.f32 $2.880000000e+02, v0;
	_ =	sdelay $0x1  }
0x3f: {  	v0 =	vmax.f32 v0, $0.0e+00  }
0x40: {  	v1 =	vmax.f32 v1, $0.0e+00;
	v0 =	vmin.f32 v0, $2.870000000e+02  }
0x41: {  	v1 =	vmin.f32 v1, $6.000000000e+00;
	v0 =	vtrunc.f32 v0  }
0x42: {  	v1 =	vtrunc.f32 v1;
	v0 =	vcvt.f32.s32 v0  }
0x43: {  	v1 =	vcvt.f32.s32 v1  }
0x44: {  	s31 =	simm.s32 $0x10;
	s14 =	simm.s32 $0x20;
	v0 =	vshll.u32 v0, $0x3  }
0x45: {  	s16 =	sand.u32 $0x70, s31;
	s15 =	simm.s32 $0x20;
	s17 =	sand.u32 $0xF00, s14;
	v0 =	vadd.s32 v1, v0  }
.LBB2_4:
0x46: {  	p0 =	sne.s32 s15, $0x7F0;
	s16 =	sor.u32 s16, s17;
	[tilespmem:s13+$0x0] =	vst v0  }
0x47: {  	v0 =	vld [tilespmem:s16+$0x0];
	_ =	sdelay $0x2  }
0x48: {  	v1 =	vld [tilespmem:s16+$0x80];
	_ =	sdelay $0x1  }
0x49: {  	v0 =	vmul.f32 $2.880000000e+02, v0;
	_ =	sdelay $0x1  }
0x4a: {  	v0 =	vmax.f32 v0, $0.0e+00  }
0x4b: {  	v0 =	vmin.f32 v0, $2.870000000e+02;
	v1 =	vmax.f32 v1, $0.0e+00  }
.Ltmp1:
0x4c: {  	v0 =	vtrunc.f32 v0;
	v1 =	vmin.f32 v1, $6.000000000e+00;
	(pc) =	sbr.rel @p0 .LBB2_4-.Ltmp1, $4  }
0x4d: {  	v0 =	vcvt.f32.s32 v0;
	v1 =	vtrunc.f32 v1  }
0x4e: {  	v1 =	vcvt.f32.s32 v1  }
0x4f: {  	s14 =	sadd.s32 $0x20, s14;
	s13 =	sadd.s32 $0x10, s13;
	v0 =	vshll.u32 v0, $0x3  }
0x50: {  	s17 =	sand.u32 $0xF00, s14;
	s16 =	sand.u32 $0x70, s15;
	s15 =	sadd.s32 $0x10, s15;
	v0 =	vadd.s32 v1, v0  }
0x51: {  	s14 =	sor.u32 s16, s17;
	[tilespmem:s13+$0x0] =	vst v0  }
0x52: {  	v0 =	vld [tilespmem:s14+$0x0];
	_ =	sdelay $0x2  }
0x53: {  	v1 =	vld [tilespmem:s14+$0x80];
	_ =	sdelay $0x1  }
0x54: {  	v0 =	vmul.f32 $2.880000000e+02, v0;
	_ =	sdelay $0x1  }
0x55: {  	v0 =	vmax.f32 v0, $0.0e+00  }
0x56: {  	v1 =	vmax.f32 v1, $0.0e+00;
	v0 =	vmin.f32 v0, $2.870000000e+02  }
0x57: {  	v1 =	vmin.f32 v1, $6.000000000e+00;
	v0 =	vtrunc.f32 v0  }
0x58: {  	v1 =	vtrunc.f32 v1;
	v0 =	vcvt.f32.s32 v0  }
0x59: {  	v1 =	vcvt.f32.s32 v1  }
0x5a: {  	s12 =	sadd.s32 $0x1, s12;
	v0 =	vshll.u32 v0, $0x3  }
0x5b: {  	s31 =	sadd.s32 $0x10, s13;
	p0 =	sne.s32 s12, s7;
	v0 =	vadd.s32 v1, v0  }
.Ltmp2:
0x5c: {  	[tilespmem:s31+$0x0] =	vst v0;
	(pc) =	sbr.rel @p0 .LBB2_1-.Ltmp2, $4  }
0x5d: {  	[hbm4b:s6+s9] =	stream.strided.scatter [tilespmem:s11], [sflag:$0x1], $0x800, s10, s9, $0x38;
	[tilespmem:$0x1800] =	vst v63  }
0x5e: {  	_ =	swait.ge [sflag:s8], $0x800  }
0x5f: {  	[sflag:s8] =	ssyncset.done $0x0  }
0x60: {  	[sflag:s8] =	ssyncadd.s32 $0xFFFFF800  }
0x61: {  	_ =	sfence.sel $0x180000  }
0x62: {  	[bflag:$0x0] =	sbarrier.arrive $0xFFFF  }
0x63: {  	p0 =	sne.s32 s1, $0x0;
	_ =	strace $0x90000047  }
0x64: {  	s0 =	sadd.s32 @!p0 $0x100000, s0;
	[bflag:$0x2] =	sbarrier.arrive $0xFFFF  }
0x65: {  	[sflag:s0] =	ssyncadd.tile.s32 @!p0 $0x1;
	_ =	shalt  }
.Lfunc_end2:
_tile_overlayer_lowered:
.L_overlay_start_2:
0x66: {  	(tag) =	ssettag $0x2  }
0x67: {  	s0 =	rddreg [dreg:$0x0];
	s2 =	stileid.u32  }
0x68: {  	s1 =	rddreg [dreg:$0x1];
	p0 =	sne.s32 s2, $0x0  }
0x69: {  	s3 =	rddreg [dreg:$0x2];
	[bflag:$0x3] =	sbarrier.arrive $0xFFFF;
	s2 =	simm.s32 @!p0 $0x1C01  }
0x6a: {  	[timem:s3], [sflag:s2] =	dma.local @!p0 [hbm:s0], s1  }
0x6b: {  	s0 =	simm.s32 @!p0 $0x1  }
0x6c: {  	_ =	swait.ge @!p0 [sflag:s0], s1  }
0x6d: {  	s1 =	ssub.s32 @!p0 $0x0, s1;
	[sflag:s0] =	ssyncset.done @!p0 $0x0  }
0x6e: {  	[sflag:s0] =	ssyncadd.s32 @!p0 s1  }
0x6f: {  	[bflag:$0x3] =	sbarrier.arrive $0xFFFF  }
0x70: {  	_ =	shalt  }

// kernel: sparse-core-data-format-call.cloned.1.call-start
scs
called_computation_lowered:
.L_overlay_start_0:
0x0: {  	s2 =	sld [smem:$0x3FD9]  }
0x1: {  	s3 =	sld [smem:$0x3FFE];
	_ =	sdelay $0x1  }
0x2: {  	s1 =	srdreg.scid  }
0x3: {  	s0 =	sand.u32 $0x1, s1  }
0x4: {  	s18 =	sshll.u32 s0, $0xA;
	s2 =	sadd.s32 s3, s2  }
0x5: {  	s2 =	sadd.s32 s2, s18  }
0x6: {  	[smem:$0x3FC5] =	sst s2  }
0x7: {  	_ = 	snop  }
0x8: {  	s2 =	sld [smem:$0x3FD0];
	(tm) =	ssettm $0x1  }
0x9: {  	s19 =	sld [smem:$0x3FFB];
	_ =	sdelay $0x3  }
0xa: {  	_ =	strace s19  }
0xb: {  	s3 =	sld [smem:$0x3FFC];
	_ =	sdelay $0x3  }
0xc: {  	_ =	strace s3  }
0xd: {  	s3 =	sld [smem:$0x3FFD];
	_ =	sdelay $0x3  }
0xe: {  	_ =	strace s3  }
0xf: {  	_ =	strace $0x8FFFFFFF  }
0x10: {  	s20 =	sld [smem:$0x3FDB];
	_ =	sdelay $0x1  }
0x11: {  	s4 =	simm.s32 $_scs_section_size  }
0x12: {  	s5 =	simm.s32 $_size__tile_overlayer_lowered;
	s6 =	simm.s32 $_tile_overlayer_lowered  }
0x13: {  	s23 =	simm.s32 $0x1BFF;
	s22 =	sshll.u32 s6, $0x1;
	s3 =	sadd.s32 s4, s20  }
0x14: {  	s7 =	simm.s32 $0x0;
	s21 =	sshll.u32 s5, $0x1;
	s5 =	sadd.s32 s22, s3  }
0x15: {  	[timem:s7], [sflag:s23] =	dma.local [hbm:s5], s21  }
0x16: {  	_ =	swait.ge [sflag:s23], s21  }
0x17: {  	s4 =	ssub.s32 $0x0, s21;
	[sflag:s23] =	ssyncset.done $0x0  }
0x18: {  	[sflag:s23] =	ssyncadd.s32 s4;
	_ =	sdelay $0x1  }
0x19: {  	s24 =	simm.s32 $0x1B8B  }
0x1a: {  	_ =	swait.ge [sflag:s24], $0x1  }
0x1b: {  	[sflag:s24] =	ssyncset.done $0x0  }
0x1c: {  	s26 =	simm.s32 $0x1B8E;
	s25 =	sld [smem:$0x3FFE];
	[sflag:s24] =	ssyncadd.s32 $0xFFFFFFFF  }
0x1d: {  	s27 =	simm.s32 $execute0_lowered;
	[smem:$0x3FD2] =	sst s26  }
0x1e: {  	s5 =	sshll.u32 s27, $0x1;
	_ =	strace $0x80000049;
	[dreg:$0x1] =	wrdreg $0xFFFFFFFF  }
0x1f: {  	s28 =	simm.s32 $_size_execute0_lowered;
	s3 =	sadd.s32 s3, s5;
	[dreg:$0x0] =	wrdreg $0x0  }
0x20: {  	s5 =	sshll.u32 s28, $0x1;
	[dreg:$0x2] =	wrdreg s3  }
0x21: {  	[dreg:$0x3] =	wrdreg s5  }
0x22: {  	[dreg:$0x4] =	wrdreg $0xC0  }
0x23: {  	_ =	task [dreg:s7], $0x5FFFF  }
0x24: {  	[dreg:$0x1] =	wrdreg $0xFFFFFFFF  }
0x25: {  	[dreg:$0x0] =	wrdreg $0x60  }
0x26: {  	[dreg:$0x2] =	wrdreg s25  }
0x27: {  	[dreg:$0x3] =	wrdreg s2  }
0x28: {  	[dreg:$0x4] =	wrdreg $0x9  }
0x29: {  	_ =	task.clear_ibuf [dreg:s7], $0x5FFFF;
	_ =	strace $0x90000049  }
0x2a: {  	s29 =	simm.s32 $0x9;
	_ =	strace $0x8000004B  }
0x2b: {  	_ =	swait.ge [sflag:s29], $0x1  }
0x2c: {  	[sflag:s29] =	ssyncadd.s32 $0xFFFFFFFF  }
0x2d: {  	_ =	strace $0x9000004B  }
0x2e: {  	_ =	sfence  }
0x2f: {  	s30 =	sld [smem:$0x0];
	_ =	sdelay $0x2  }
0x30: {  	s31 =	sshll.u32 s1, $0xD;
	s1 =	sshrl.u32 s1, $0x2  }
0x31: {  	s3 =	sand.u32 $0x4000, s31;
	s1 =	sadd.s32 s1, s30  }
0x32: {  	s0 =	sor.u32 s3, s0;
	s1 =	sshll.u32 s1, $0x11  }
0x33: {  	s0 =	sor.u32 s1, s0  }
0x34: {  	s0 =	sadd.s32 $0x8F2B, s0  }
0x35: {  	[sflag:s0] =	ssyncadd.remote.s32 $0x1  }
0x36: {  	_ =	sfence.sel $0xFFFF  }
0x37: {  	[dreg:$0x0] =	wrdreg $0xFFFFFFFF;
	(pc) =	sbr.abs _section_cstart, $3  }
0x38: {  	[dreg:$0x1] =	wrdreg $0xFFFFFFFF  }
0x39: {  	_ =	task.clear_ibuf [dreg:s7], $0x2FFFF;
	_ =	strace $0x9FFFFFFF  }
0x3a: {  	(tm) =	ssettm $0x7FFFFFFF  }
0x3b: {  	_ =	shalt  }
tec
execute0_lowered:
.L_overlay_start_1:
0x0: {  	(tag) =	ssettag $0x1  }
0x1: {  	s4 =	rddreg [dreg:$0x0]  }
0x2: {  	s2 =	rddreg [dreg:$0x1]  }
0x3: {  	s0 =	rddreg [dreg:$0x2];
	_ =	strace $0x8000004A  }
0x4: {  	s3 =	srdreg.scid;
	s1 =	stileid.u32;
	s6 =	simm.s32 $0x2  }
.Ltmp0:
0x5: {  	p0 =	por $0x0, $0x0;
	s10 =	simm.s32 $0x0;
	(pc) =	sbr.rel .LBB1_1-.Ltmp0, $4  }
0x6: {  	s11 =	simm.s32 $0x0;
	s8 =	simm.s32 $0x0;
	s5 =	sshll.u32 s3, $0x4  }
0x7: {  	s7 =	simm.s32 $0x0;
	s3 =	simm.s32 $0x1;
	s5 =	sand.u32 $0x10, s5  }
0x8: {  	s4 =	sadd.s32 $0xE00, s4;
	[sflag:s3] =	ssyncpa.u1 $0x0;
	s5 =	sor.u32 s1, s5  }
0x9: {  	[sflag:s6] =	ssyncpa.u1 $0x0;
	s6 =	simm.s32 $0x0;
	s9 =	smov.u32 s5  }
.LBB1_7:
0xa: {  	s12 =	sadd.s32 $0x8, s8  }
0xb: {  	s10 =	sadd.s32 $0x20, s9;
	s14 =	smov.u32 s9;
	p2 =	sgt.s32 s12, $0x7F  }
0xc: {  	p1 =	slt.u32 s7, $0x2;
	s14 =	smov.u32 @p2 s10  }
0xd: {  	s7 =	sadd.s32 $0x1, s7;
	s12 =	simm.s32 @p2 $0x0;
	p2 =	sgt.s32 s14, $0x3F  }
0xe: {  	s14 =	smov.u32 @p2 s5;
	p2 =	sne.s32 s7, $0x22  }
.Ltmp1:
0xf: {  	_ = 	snop;
	(pc) =	sbr.rel @!p2 .LBB1_8-.Ltmp1, $4  }
0x10: {  	s13 =	simm.s32 @!p1 $0x2  }
0x11: {  	s11 =	smov.u32 s9;
	_ =	swait.ge @!p1 [sflag:s13], $0x4000  }
0x12: {  	p0 =	por !p0, !p0;
	s10 =	smov.u32 s8;
	[sflag:s13] =	ssyncset.done @!p1 $0x0  }
0x13: {  	s8 =	smov.u32 s12;
	[sflag:s13] =	ssyncadd.s32 @!p1 $0xFFFFC000;
	s9 =	smov.u32 s14  }
.LBB1_1:
0x14: {  	p1 =	sgt.u32 s7, $0x1F  }
0x15: {  	s12 =	sxor.u32 @!p1 $0xFFFFFFFF, s7;
	s13 =	sshll.u32 @!p1 s9, $0xF;
	s14 =	sshll.u32 @!p1 s8, $0x8  }
0x16: {  	s15 =	sshll.u32 @!p1 s8, $0x4;
	s14 =	sand.u32 @!p1 $0x7800, s14;
	s13 =	sadd.s32 @!p1 s4, s13  }
0x17: {  	s12 =	sshll.u32 @!p1 s12, $0xE;
	s15 =	sand.u32 @!p1 $0x70, s15;
	s13 =	sadd.s32 @!p1 s14, s13  }
0x18: {  	s12 =	sand.u32 @!p1 $0x4000, s12;
	s14 =	simm.s32 @!p1 $0x0;
	s13 =	sadd.s32 @!p1 s15, s13  }
0x19: {  	[tilespmem:s12], [sflag:$0x1] =	stream.linear.gather @!p1 [hbm4b:s13+s14], $0x4000, $0x38;
	[tilespmem:$0x10000] =	vst v63  }
0x1a: {  	p1 =	seq.s32 s7, $0x0  }
0x1b: {  	p2 =	seq.s32 @!p1 s7, $0x21  }
0x1c: {  	p1 =	por p1, p2  }
.Ltmp2:
0x1d: {  	_ = 	snop;
	(pc) =	sbr.rel @p1 .LBB1_7-.Ltmp2, $1  }
0x1e: {  	_ =	sdelay $0x3  }
0x1f: {  	s12 =	simm.s32 $0x1;
	_ =	swait.ge [sflag:s3], $0x4000;
	s15 =	sshll.u32 s7, $0xE  }
0x20: {  	s12 =	simm.s32 @!p0 $0x0;
	[sflag:s3] =	ssyncset.done $0x0;
	s31 =	sand.u32 $0x4000, s15  }
0x21: {  	s15 =	simm.s32 $0x0;
	s13 =	sshll.u32 s12, $0xE;
	[sflag:s3] =	ssyncadd.s32 $0xFFFFC000  }
0x22: {  	s12 =	sor.u32 $0x8100, s13;
	s14 =	sor.u32 $0x800, s13;
	s13 =	sor.u32 $0x8000, s31  }
.LBB1_3:
0x23: {  	v0 =	vld [tilespmem:s14+$0x470]  }
0x24: {  	v1 =	vld [tilespmem:s14+$0xFFFFF810]  }
0x25: {  	v2 =	vld [tilespmem:s14+$0xFFFFF820]  }
0x26: {  	v3 =	vld [tilespmem:s14+$0xFFFFF830]  }
0x27: {  	v4 =	vld [tilespmem:s14+$0xFFFFF840]  }
0x28: {  	v5 =	vld [tilespmem:s14+$0xFFFFF850];
	[tilespmem:s12+$0xF0] =	vst v0  }
0x29: {  	[tilespmem:s12+$0xFFFFFF10] =	vst v1;
	v0 =	vld [tilespmem:s14+$0xFFFFF860]  }
0x2a: {  	[tilespmem:s12+$0xFFFFFF20] =	vst v2;
	v1 =	vld [tilespmem:s14+$0xFFFFF870]  }
0x2b: {  	[tilespmem:s12+$0xFFFFFF30] =	vst v3;
	v2 =	vld [tilespmem:s14+$0xFFFFFC00]  }
0x2c: {  	[tilespmem:s12+$0xFFFFFF40] =	vst v4;
	v3 =	vld [tilespmem:s14+$0xFFFFFC10]  }
0x2d: {  	[tilespmem:s12+$0xFFFFFF50] =	vst v5;
	v4 =	vld [tilespmem:s14+$0xFFFFFC20]  }
0x2e: {  	v5 =	vld [tilespmem:s14+$0x420];
	[tilespmem:s12+$0xFFFFFF60] =	vst v0  }
0x2f: {  	v0 =	vld [tilespmem:s14+$0xFFFFFC30];
	[tilespmem:s12+$0xFFFFFF70] =	vst v1  }
0x30: {  	v1 =	vld [tilespmem:s14+$0xFFFFFC40];
	[tilespmem:s12+$0xFFFFFF80] =	vst v2  }
0x31: {  	[tilespmem:s12+$0xFFFFFF90] =	vst v3;
	v3 =	vld [tilespmem:s14+$0xFFFFFC60]  }
0x32: {  	[tilespmem:s12+$0xFFFFFFA0] =	vst v4;
	v4 =	vld [tilespmem:s14+$0xFFFFFC70]  }
0x33: {  	v2 =	vld [tilespmem:s14+$0xFFFFFC50];
	[tilespmem:s12+$0xA0] =	vst v5  }
0x34: {  	[tilespmem:s12+$0xFFFFFFB0] =	vst v0;
	v0 =	vld [tilespmem:s14+$0x0]  }
0x35: {  	[tilespmem:s12+$0xFFFFFFC0] =	vst v1;
	v1 =	vld [tilespmem:s14+$0x10]  }
0x36: {  	[tilespmem:s12+$0xFFFFFFE0] =	vst v3;
	v3 =	vld [tilespmem:s14+$0x30]  }
0x37: {  	[tilespmem:s12+$0xFFFFFFF0] =	vst v4;
	v4 =	vld [tilespmem:s14+$0x40]  }
0x38: {  	[tilespmem:s12+$0xFFFFFFD0] =	vst v2;
	v2 =	vld [tilespmem:s14+$0x20]  }
0x39: {  	[tilespmem:s12+$0x0] =	vst v0;
	v0 =	vld [tilespmem:s14+$0x50]  }
0x3a: {  	[tilespmem:s12+$0x10] =	vst v1;
	v1 =	vld [tilespmem:s14+$0x60]  }
0x3b: {  	[tilespmem:s12+$0x30] =	vst v3;
	v3 =	vld [tilespmem:s14+$0x400]  }
0x3c: {  	[tilespmem:s12+$0x40] =	vst v4;
	v4 =	vld [tilespmem:s14+$0x410]  }
0x3d: {  	[tilespmem:s12+$0x20] =	vst v2;
	v2 =	vld [tilespmem:s14+$0x70]  }
0x3e: {  	[tilespmem:s12+$0x50] =	vst v0;
	v0 =	vld [tilespmem:s14+$0x430]  }
0x3f: {  	[tilespmem:s12+$0x60] =	vst v1;
	v1 =	vld [tilespmem:s14+$0x440]  }
0x40: {  	[tilespmem:s12+$0x80] =	vst v3;
	v3 =	vld [tilespmem:s14+$0x450]  }
0x41: {  	[tilespmem:s12+$0x90] =	vst v4;
	v4 =	vld [tilespmem:s14+$0x460]  }
0x42: {  	s17 =	simm.s32 $0x0;
	s18 =	sadd.s32 $0x1000, s14;
	s16 =	smov.u32 s12;
	[tilespmem:s12+$0x70] =	vst v2;
	v2 =	vld [tilespmem:s14+$0xFFFFF800]  }
.LBB1_4:
0x43: {  	v5 =	vld [tilespmem:s18+$0x470];
	s17 =	sadd.s32 $0x200, s17;
	[tilespmem:s16+$0xB0] =	vst v0  }
0x44: {  	v0 =	vld [tilespmem:s18+$0xFFFFF810];
	p1 =	slt.u32 s17, $0x600;
	[tilespmem:s16+$0xC0] =	vst v1  }
0x45: {  	v1 =	vld [tilespmem:s18+$0xFFFFF820];
	[tilespmem:s16+$0xD0] =	vst v3  }
0x46: {  	v3 =	vld [tilespmem:s18+$0xFFFFF830];
	[tilespmem:s16+$0xE0] =	vst v4  }
0x47: {  	v4 =	vld [tilespmem:s18+$0xFFFFF840];
	[tilespmem:s16+$0xFFFFFF00] =	vst v2;
	s16 =	sadd.s32 $0x200, s16  }
0x48: {  	v2 =	vld [tilespmem:s18+$0xFFFFF850];
	[tilespmem:s16+$0xF0] =	vst v5  }
0x49: {  	[tilespmem:s16+$0xFFFFFF10] =	vst v0;
	v0 =	vld [tilespmem:s18+$0xFFFFF860]  }
0x4a: {  	[tilespmem:s16+$0xFFFFFF20] =	vst v1;
	v1 =	vld [tilespmem:s18+$0xFFFFF870]  }
0x4b: {  	[tilespmem:s16+$0xFFFFFF30] =	vst v3;
	v3 =	vld [tilespmem:s18+$0xFFFFFC00]  }
0x4c: {  	[tilespmem:s16+$0xFFFFFF40] =	vst v4;
	v4 =	vld [tilespmem:s18+$0xFFFFFC10]  }
0x4d: {  	[tilespmem:s16+$0xFFFFFF50] =	vst v2;
	v2 =	vld [tilespmem:s18+$0xFFFFFC20]  }
0x4e: {  	[tilespmem:s16+$0xFFFFFF60] =	vst v0;
	v0 =	vld [tilespmem:s18+$0xFFFFFC30]  }
0x4f: {  	[tilespmem:s16+$0xFFFFFF70] =	vst v1;
	v1 =	vld [tilespmem:s18+$0xFFFFFC40]  }
0x50: {  	[tilespmem:s16+$0xFFFFFF80] =	vst v3;
	v3 =	vld [tilespmem:s18+$0xFFFFFC50]  }
0x51: {  	[tilespmem:s16+$0xFFFFFF90] =	vst v4;
	v4 =	vld [tilespmem:s18+$0xFFFFFC60]  }
0x52: {  	[tilespmem:s16+$0xFFFFFFA0] =	vst v2;
	v2 =	vld [tilespmem:s18+$0xFFFFFC70]  }
0x53: {  	[tilespmem:s16+$0xFFFFFFB0] =	vst v0;
	v0 =	vld [tilespmem:s18+$0x0]  }
0x54: {  	[tilespmem:s16+$0xFFFFFFC0] =	vst v1;
	v1 =	vld [tilespmem:s18+$0x10]  }
0x55: {  	[tilespmem:s16+$0xFFFFFFD0] =	vst v3;
	v3 =	vld [tilespmem:s18+$0x20]  }
0x56: {  	[tilespmem:s16+$0xFFFFFFE0] =	vst v4;
	v4 =	vld [tilespmem:s18+$0x30]  }
0x57: {  	[tilespmem:s16+$0xFFFFFFF0] =	vst v2;
	v2 =	vld [tilespmem:s18+$0x40]  }
0x58: {  	[tilespmem:s16+$0x0] =	vst v0;
	v0 =	vld [tilespmem:s18+$0x50]  }
0x59: {  	[tilespmem:s16+$0x10] =	vst v1;
	v1 =	vld [tilespmem:s18+$0x60]  }
0x5a: {  	[tilespmem:s16+$0x20] =	vst v3;
	v3 =	vld [tilespmem:s18+$0x70]  }
0x5b: {  	[tilespmem:s16+$0x30] =	vst v4;
	v4 =	vld [tilespmem:s18+$0x400]  }
0x5c: {  	[tilespmem:s16+$0x40] =	vst v2;
	v2 =	vld [tilespmem:s18+$0x410]  }
0x5d: {  	[tilespmem:s16+$0x50] =	vst v0;
	v5 =	vld [tilespmem:s18+$0x420]  }
.Ltmp3:
0x5e: {  	[tilespmem:s16+$0x60] =	vst v1;
	v0 =	vld [tilespmem:s18+$0x430];
	(pc) =	sbr.rel @p1 .LBB1_4-.Ltmp3, $4  }
0x5f: {  	[tilespmem:s16+$0x70] =	vst v3;
	v1 =	vld [tilespmem:s18+$0x440]  }
0x60: {  	[tilespmem:s16+$0x80] =	vst v4;
	v3 =	vld [tilespmem:s18+$0x450]  }
0x61: {  	[tilespmem:s16+$0x90] =	vst v2;
	v4 =	vld [tilespmem:s18+$0x460]  }
0x62: {  	v2 =	vld [tilespmem:s18+$0xFFFFF800];
	[tilespmem:s16+$0xA0] =	vst v5;
	s18 =	sadd.s32 $0x1000, s18  }
0x63: {  	s15 =	sadd.s32 $0x1, s15  }
0x64: {  	p1 =	sne.s32 s15, $0x8  }
.Ltmp4:
0x65: {  	[tilespmem:s16+$0xB0] =	vst v0;
	(pc) =	sbr.rel @p1 .LBB1_3-.Ltmp4, $4  }
0x66: {  	[tilespmem:s16+$0xC0] =	vst v1  }
0x67: {  	[tilespmem:s16+$0xD0] =	vst v3  }
0x68: {  	[tilespmem:s16+$0xE0] =	vst v4  }
0x69: {  	s12 =	sadd.s32 $0x800, s12;
	s14 =	sadd.s32 $0x80, s14;
	[tilespmem:s16+$0xFFFFFF00] =	vst v2  }
.Ltmp5:
0x6a: {  	(pc) =	sbr.rel .LBB1_7-.Ltmp5, $4  }
0x6b: {  	s11 =	sshll.u32 s11, $0xF  }
0x6c: {  	s10 =	sshll.u32 s10, $0x8;
	s11 =	sadd.s32 s2, s11  }
0x6d: {  	s10 =	sadd.s32 s10, s11  }
0x6e: {  	[hbm4b:s10+s6] =	stream.linear.scatter [tilespmem:s13], [sflag:$0x2], $0x4000, $0x38;
	[tilespmem:$0x10000] =	vst v63  }
.LBB1_8:
0x6f: {  	_ =	sfence.sel $0x180000  }
0x70: {  	s2 =	simm.s32 $0x1;
	[bflag:$0x0] =	sbarrier.arrive $0xFFFF  }
0x71: {  	s31 =	simm.s32 $0x2;
	[sflag:s2] =	ssyncpa.u1 $0x1  }
0x72: {  	[sflag:s31] =	ssyncpa.u1 $0x1  }
0x73: {  	p0 =	sne.s32 s1, $0x0;
	_ =	strace $0x9000004A  }
0x74: {  	s0 =	sadd.s32 @!p0 $0x100000, s0;
	[bflag:$0x2] =	sbarrier.arrive $0xFFFF  }
0x75: {  	[sflag:s0] =	ssyncadd.tile.s32 @!p0 $0x1;
	_ =	shalt  }
.Lfunc_end1:
_tile_overlayer_lowered:
.L_overlay_start_2:
0x76: {  	(tag) =	ssettag $0x2  }
0x77: {  	s0 =	rddreg [dreg:$0x0];
	s2 =	stileid.u32  }
0x78: {  	s1 =	rddreg [dreg:$0x1];
	p0 =	sne.s32 s2, $0x0  }
0x79: {  	s3 =	rddreg [dreg:$0x2];
	[bflag:$0x3] =	sbarrier.arrive $0xFFFF;
	s2 =	simm.s32 @!p0 $0x1C01  }
0x7a: {  	[timem:s3], [sflag:s2] =	dma.local @!p0 [hbm:s0], s1  }
0x7b: {  	s0 =	simm.s32 @!p0 $0x1  }
0x7c: {  	_ =	swait.ge @!p0 [sflag:s0], s1  }
0x7d: {  	s1 =	ssub.s32 @!p0 $0x0, s1;
	[sflag:s0] =	ssyncset.done @!p0 $0x0  }
0x7e: {  	[sflag:s0] =	ssyncadd.s32 @!p0 s1  }
0x7f: {  	[bflag:$0x3] =	sbarrier.arrive $0xFFFF  }
0x80: {  	_ =	shalt  }

</sc_bundles>
